<compile_context>
chip_gen: v7x
topology: tpu7x:2x2x1
jax: 0.10.2.dev20260603
libtpu: 0.0.44.dev20260713+nightly
codegen_flags: <defaults>
</compile_context>

<pallas_src>
import dataclasses
import functools

import jax
import jax.numpy as jnp
from jax import lax
from jax.experimental import pallas as pl
from jax.experimental.pallas import tpu as pltpu
from jax.experimental.pallas import tpu_sc as plsc

N_NODES = 10000
N_EDGES = 320000
D = 128
LANES = 16

NC, NS = 2, 16
NW = NC * NS
K = 128
EDGES_PER_W = 20480
CHUNKS = EDGES_PER_W // K
N_EDGES_PAD = NS * EDGES_PER_W
T_ROWS = N_NODES // 2
HALF = N_NODES // 2
A_ROWS = HALF + 8
KZ = 40

_mesh = plsc.VectorSubcoreMesh(core_axis_name="c", subcore_axis_name="s")

_cp = pltpu.CompilerParams()
if "needs_layout_passes" in pltpu.CompilerParams.__dataclass_fields__:
    _cp = dataclasses.replace(_cp, needs_layout_passes=False)


@functools.partial(
    pl.kernel,
    out_type=jax.ShapeDtypeStruct((NC, HALF, D), jnp.float32),
    mesh=_mesh,
    compiler_params=_cp,
    scratch_types=[
        pltpu.VMEM((4, K), jnp.int32),
        pltpu.VMEM((4, K), jnp.int32),
        pltpu.VMEM((K, D), jnp.float32),
        pltpu.VMEM((K, D), jnp.float32),
        pltpu.VMEM_SHARED((T_ROWS, D), jnp.float32),
        pltpu.VMEM_SHARED((A_ROWS, D), jnp.float32),
        pltpu.SemaphoreType.DMA,
        pltpu.SemaphoreType.DMA,
        pltpu.SemaphoreType.DMA,
        pltpu.SemaphoreType.DMA,
        pltpu.SemaphoreType.DMA,
        pltpu.SemaphoreType.DMA,
    ],
)
def _spmm_sc(edata_hbm, table_hbm, out_hbm, ed_a, ed_b, gbuf_a, gbuf_b,
             table_s, acc, sem_ga, sem_gb, sem_sa, sem_sb, sem_ea, sem_eb):
    cid = lax.axis_index("c")
    sid = lax.axis_index("s")

    @pl.loop(sid, 25, step=NS)
    def _(ci):
        pltpu.sync_copy(table_hbm.at[pl.ds(ci * 200, 200)],
                        table_s.at[pl.ds(ci * 200, 200)])

    zero = jnp.zeros((LANES,), jnp.float32)

    @pl.loop(0, K)
    def _(j):
        for t in range(D // LANES):
            gbuf_a[j, pl.ds(t * LANES, LANES)] = zero

    @pl.loop(sid, A_ROWS // K, step=NS)
    def _(ci):
        pltpu.sync_copy(gbuf_a, acc.at[pl.ds(ci * K, K)])

    @pl.when(sid == 0)
    def _():
        rem = A_ROWS - (A_ROWS // K) * K
        pltpu.sync_copy(gbuf_a.at[pl.ds(0, rem)],
                        acc.at[pl.ds((A_ROWS // K) * K, rem)])

    plsc.subcore_barrier()

    def issue_edata(ci, ed, sem):
        pltpu.async_copy(edata_hbm.at[cid, sid, ci], ed, sem)

    def wait_edata(ed, sem):
        pltpu.make_async_copy(edata_hbm.at[cid, sid, 0], ed, sem).wait()

    def issue_gather(ed, gbuf, sem):
        pltpu.async_copy(table_s.at[ed.at[1]], gbuf, sem)

    def wait_gather(ed, gbuf, sem):
        pltpu.make_async_copy(table_s.at[ed.at[1]], gbuf, sem).wait()

    def issue_scatter(ed, gbuf, sem):
        pltpu.async_copy(gbuf, acc.at[ed.at[0]], sem, add=True)

    def wait_scatter(ed, gbuf, sem):
        pltpu.make_async_copy(gbuf, acc.at[ed.at[0]], sem).wait()

    iota = lax.iota(jnp.int32, LANES)

    def scale(ed, gbuf):
        @plsc.parallel_loop(0, K, unroll=8)
        def _(j):
            jv = jnp.full((LANES,), j, jnp.int32)
            halfv = plsc.load_gather(
                ed, [jnp.full((LANES,), 2, jnp.int32), jv])
            vbits = plsc.load_gather(
                ed, [jnp.full((LANES,), 3, jnp.int32), jv])
            vv = plsc.bitcast(vbits, jnp.bfloat16)
            base = halfv * (D // 2) + iota
            xs = [plsc.load_gather(gbuf, [jv, base + t * LANES])
                  for t in range(D // 2 // LANES)]
            for t, x in enumerate(xs):
                pb = plsc.bitcast(x, jnp.bfloat16) * vv
                lo, hi = plsc.unpack(pb, format=plsc.PackFormat.INTERLEAVED)
                gbuf[j, pl.ds(2 * t * LANES, LANES)] = lo
                gbuf[j, pl.ds((2 * t + 1) * LANES, LANES)] = hi

    issue_edata(0, ed_a, sem_ea)
    issue_edata(1, ed_b, sem_eb)
    wait_edata(ed_a, sem_ea)
    issue_gather(ed_a, gbuf_a, sem_ga)

    @pl.loop(0, CHUNKS // 2)
    def _(i):
        a = 2 * i
        wait_gather(ed_a, gbuf_a, sem_ga)

        @pl.when(i > 0)
        def _():
            wait_scatter(ed_b, gbuf_b, sem_sb)
        wait_edata(ed_b, sem_eb)
        issue_gather(ed_b, gbuf_b, sem_gb)
        scale(ed_a, gbuf_a)
        issue_scatter(ed_a, gbuf_a, sem_sa)

        @pl.when(i + 1 < CHUNKS // 2)
        def _():
            issue_edata(a + 2, ed_a, sem_ea)
        wait_gather(ed_b, gbuf_b, sem_gb)
        wait_scatter(ed_a, gbuf_a, sem_sa)

        @pl.when(i + 1 < CHUNKS // 2)
        def _():
            wait_edata(ed_a, sem_ea)
            issue_gather(ed_a, gbuf_a, sem_ga)
        scale(ed_b, gbuf_b)
        issue_scatter(ed_b, gbuf_b, sem_sb)

        @pl.when(i + 1 < CHUNKS // 2)
        def _():
            issue_edata(a + 3, ed_b, sem_eb)

    wait_scatter(ed_b, gbuf_b, sem_sb)

    plsc.subcore_barrier()

    @pl.loop(sid, HALF // KZ, step=NS)
    def _(ci):
        pltpu.sync_copy(acc.at[pl.ds(ci * KZ, KZ)],
                        out_hbm.at[cid, pl.ds(ci * KZ, KZ)])


def _assemble_body(p_ref, o_ref):
    o_ref[...] = p_ref[0]


def kernel(edge_index, edge_values, features):
    pad = N_EDGES_PAD - N_EDGES
    spread = (jnp.arange(pad, dtype=jnp.int32) * 8) % N_NODES
    row = jnp.concatenate([edge_index[0], spread])
    col = jnp.concatenate([edge_index[1], spread])
    val = jnp.concatenate([edge_values, jnp.zeros((pad,), jnp.float32)])

    eidx = jnp.arange(N_EDGES_PAD, dtype=jnp.int32)
    dummy = HALF + (eidx & 7)
    row_local = []
    for c in range(NC):
        r = row - c * HALF
        row_local.append(jnp.where((r >= 0) & (r < HALF), r, dummy))

    vbf = val.astype(jnp.bfloat16)
    vpair = jax.lax.bitcast_convert_type(
        jnp.stack([vbf, vbf], axis=-1), jnp.int32)
    shared = jnp.stack([col >> 1, col & 1, vpair])
    edata = jnp.concatenate(
        [jnp.stack(row_local)[:, None],
         jnp.broadcast_to(shared, (NC, 3, N_EDGES_PAD))], axis=1)
    edata = edata.reshape(NC, 4, NS, CHUNKS, K).transpose(0, 2, 3, 1, 4)

    fbf = features.astype(jnp.bfloat16)
    fperm = fbf.reshape(N_NODES, D // 32, 2, 16).transpose(0, 1, 3, 2)
    table = jax.lax.bitcast_convert_type(
        fperm.reshape(T_ROWS, D, 2), jnp.float32)

    halves = _spmm_sc(edata, table)
    out = pl.pallas_call(
        _assemble_body,
        out_shape=jax.ShapeDtypeStruct((N_NODES, D), jnp.float32),
        grid=(2,),
        in_specs=[pl.BlockSpec((1, HALF, D), lambda i: (i, 0, 0))],
        out_specs=pl.BlockSpec((HALF, D), lambda i: (i, 0)),
    )(halves)
    return out

# --- scband reference (transcript-rebuilt; emitter-appended) ---
"""Pipeline reference for scband-graph-convolution-8856222564800 (READ-ONLY COPY).

The authoritative reference and input builder live on the scoring server;
editing this copy changes nothing except your own understanding.
"""

import jax, jax.numpy as jnp
import numpy as np

N_NODES = 10000
N_EDGES = 320000
D_FEAT = 128

def setup_inputs(seed: int = 0) -> dict:
    key = jax.random.key(seed)
    k1, k2, k3 = jax.random.split(key, 3)
    edge_index = jax.random.randint(k1, (2, N_EDGES), 0, N_NODES, dtype=jnp.int64 if jax.config.jax_enable_x64 else jnp.int32).astype(jnp.int32)
    edge_values = jax.random.uniform(k2, (N_EDGES,), dtype=jnp.float32)
    features = jax.random.normal(k3, (N_NODES, D_FEAT), dtype=jnp.float32)
    return {"edge_index": edge_index, "edge_values": edge_values, "features": features}

def reference(edge_index, edge_values, features):
    # Faithful jax translation of torch.sparse.mm(adj, features) where adj is a
    # sparse COO matrix with indices=edge_index (row=dst, col=src) and values=edge_values.
    # SpMM = gather rows of `features` by col index, scale by edge value, scatter-add into row index.
    row = edge_index[0]
    col = edge_index[1]
    gathered = jnp.take(features, col, axis=0) * edge_values[:, None]
    out = jax.ops.segment_sum(gathered, row, num_segments=features.shape[0])
    return out

if __name__ == "__main__":
    import jax
    _d = setup_inputs()
    print(jax.jit(kernel)(*tuple(_d.values())))

</pallas_src>

<mosaic_0001>
#map = affine_map<(d0, d1) -> (0, 0, 0, 0, 0)>
#map1 = affine_map<(d0, d1) -> (0, 0)>
#map2 = affine_map<(d0, d1) -> (0, 0, 0)>
module attributes {stable_mosaic.version = 14 : i64} {
  func.func @_spmm_sc(%arg0: i32, %arg1: i32, %arg2: memref<2x16x160x4x128xi32, #tpu.memory_space<hbm>>, %arg3: memref<5000x128xf32, #tpu.memory_space<hbm>>, %arg4: memref<2x5000x128xf32, #tpu.memory_space<hbm>>, %arg5: memref<4x128xi32, #tpu.memory_space<vmem>>, %arg6: memref<4x128xi32, #tpu.memory_space<vmem>>, %arg7: memref<128x128xf32, #tpu.memory_space<vmem>>, %arg8: memref<128x128xf32, #tpu.memory_space<vmem>>, %arg9: memref<5000x128xf32, #tpu.memory_space<vmem_shared>>, %arg10: memref<5008x128xf32, #tpu.memory_space<vmem_shared>>, %arg11: memref<!tpu.dma_semaphore, #tpu.memory_space<semaphore_mem>>, %arg12: memref<!tpu.dma_semaphore, #tpu.memory_space<semaphore_mem>>, %arg13: memref<!tpu.dma_semaphore, #tpu.memory_space<semaphore_mem>>, %arg14: memref<!tpu.dma_semaphore, #tpu.memory_space<semaphore_mem>>, %arg15: memref<!tpu.dma_semaphore, #tpu.memory_space<semaphore_mem>>, %arg16: memref<!tpu.dma_semaphore, #tpu.memory_space<semaphore_mem>>) attributes {dimension_semantics = [#tpu.dimension_semantics<core_parallel>, #tpu.dimension_semantics<subcore_parallel>], iteration_bounds = array<i64: 2, 16>, scalar_prefetch = 0 : i64, scratch_operands = 12 : i64, tpu.core_type = #tpu.core_type<sc_vector_subcore>, window_params = [{transform_indices = #map}, {transform_indices = #map1}, {transform_indices = #map2}]} {
    %sub3A = arith.constant 25 : i32
    %sub3A_0 = arith.subi %sub3A, %arg1 : i32
    %sub3A_1 = arith.constant 16 : i32
    %sub3A_2 = arith.constant 1 : i32
    %sub3A_3 = arith.subi %sub3A_1, %sub3A_2 : i32
    %add3A = arith.addi %sub3A_0, %sub3A_3 : i32
    %div3A = arith.constant 16 : i32
    %div3A_4 = arith.divsi %add3A, %div3A : i32
    %while3A = arith.constant 16 : i32
    %while3A_5 = arith.constant 0 : i32
    %while3A_6 = arith.subi %div3A_4, %while3A_5 : i32
    %while3A_7 = arith.addi %while3A_5, %while3A_6 : i32
    %while3A_8 = arith.constant 1 : i32
    %while3A_9 = arith.divsi %while3A_6, %while3A_8 : i32
    %while3A_10 = arith.muli %while3A_9, %while3A_8 : i32
    %while3A_11 = arith.addi %while3A_5, %while3A_10 : i32
    %while3A_12 = arith.constant 1 : i32
    scf.for %while3A_102 = %while3A_5 to %while3A_11 step %while3A_12  : i32 {
      %mul3A = arith.muli %while3A_102, %while3A : i32
      %add3A_103 = arith.addi %arg1, %mul3A : i32
      %mul3A_104 = arith.constant 200 : i32
      %mul3A_105 = arith.muli %add3A_103, %mul3A_104 : i32
      %mul3A_106 = arith.constant 200 : i32
      %mul3A_107 = arith.muli %add3A_103, %mul3A_106 : i32
      "tpu.region"() ({
        %run_scoped3A = tpu.sem_alloc : memref<!tpu.dma_semaphore, #tpu.memory_space<semaphore_mem>>
        %dma_start3A_108 = arith.constant 0 : i32
        %dma_start3A_109 = tpu.memref_slice %arg9[%mul3A_107, %dma_start3A_108] : memref<5000x128xf32, #tpu.memory_space<vmem_shared>> -> memref<200x128xf32, #tpu.memory_space<vmem_shared>>
        %dma_start3A_110 = arith.constant 0 : i32
        %dma_start3A_111 = tpu.memref_slice %arg3[%mul3A_105, %dma_start3A_110] : memref<5000x128xf32, #tpu.memory_space<hbm>> -> memref<200x128xf32, #tpu.memory_space<hbm>>
        tpu.enqueue_dma source(%dma_start3A_111 : memref<200x128xf32, #tpu.memory_space<hbm>>) target(%dma_start3A_109 : memref<200x128xf32, #tpu.memory_space<vmem_shared>>) target_semaphore(%run_scoped3A : memref<!tpu.dma_semaphore, #tpu.memory_space<semaphore_mem>>)
        %dma_wait3A_112 = arith.constant 0 : i32
        %dma_wait3A_113 = tpu.memref_slice %arg9[%mul3A_107, %dma_wait3A_112] : memref<5000x128xf32, #tpu.memory_space<vmem_shared>> -> memref<200x128xf32, #tpu.memory_space<vmem_shared>>
        %dma_wait3A_114 = arith.constant 0 : i32
        %dma_wait3A_115 = tpu.memref_slice %arg3[%mul3A_105, %dma_wait3A_114] : memref<5000x128xf32, #tpu.memory_space<hbm>> -> memref<200x128xf32, #tpu.memory_space<hbm>>
        tpu.wait_dma2 semaphore(%run_scoped3A : memref<!tpu.dma_semaphore, #tpu.memory_space<semaphore_mem>>) src(%dma_wait3A_115 : memref<200x128xf32, #tpu.memory_space<hbm>>) dst(%dma_wait3A_113 : memref<200x128xf32, #tpu.memory_space<vmem_shared>>)
        tpu.yield
      }) : () -> ()
    }
    %while3A_13 = arith.constant 1 : i32
    scf.for %while3A_102 = %while3A_11 to %while3A_7 step %while3A_13  : i32 {
      %mul3A = arith.muli %while3A_102, %while3A : i32
      %add3A_103 = arith.addi %arg1, %mul3A : i32
      %mul3A_104 = arith.constant 200 : i32
      %mul3A_105 = arith.muli %add3A_103, %mul3A_104 : i32
      %mul3A_106 = arith.constant 200 : i32
      %mul3A_107 = arith.muli %add3A_103, %mul3A_106 : i32
      "tpu.region"() ({
        %run_scoped3A = tpu.sem_alloc : memref<!tpu.dma_semaphore, #tpu.memory_space<semaphore_mem>>
        %dma_start3A_108 = arith.constant 0 : i32
        %dma_start3A_109 = tpu.memref_slice %arg9[%mul3A_107, %dma_start3A_108] : memref<5000x128xf32, #tpu.memory_space<vmem_shared>> -> memref<200x128xf32, #tpu.memory_space<vmem_shared>>
        %dma_start3A_110 = arith.constant 0 : i32
        %dma_start3A_111 = tpu.memref_slice %arg3[%mul3A_105, %dma_start3A_110] : memref<5000x128xf32, #tpu.memory_space<hbm>> -> memref<200x128xf32, #tpu.memory_space<hbm>>
        tpu.enqueue_dma source(%dma_start3A_111 : memref<200x128xf32, #tpu.memory_space<hbm>>) target(%dma_start3A_109 : memref<200x128xf32, #tpu.memory_space<vmem_shared>>) target_semaphore(%run_scoped3A : memref<!tpu.dma_semaphore, #tpu.memory_space<semaphore_mem>>)
        %dma_wait3A_112 = arith.constant 0 : i32
        %dma_wait3A_113 = tpu.memref_slice %arg9[%mul3A_107, %dma_wait3A_112] : memref<5000x128xf32, #tpu.memory_space<vmem_shared>> -> memref<200x128xf32, #tpu.memory_space<vmem_shared>>
        %dma_wait3A_114 = arith.constant 0 : i32
        %dma_wait3A_115 = tpu.memref_slice %arg3[%mul3A_105, %dma_wait3A_114] : memref<5000x128xf32, #tpu.memory_space<hbm>> -> memref<200x128xf32, #tpu.memory_space<hbm>>
        tpu.wait_dma2 semaphore(%run_scoped3A : memref<!tpu.dma_semaphore, #tpu.memory_space<semaphore_mem>>) src(%dma_wait3A_115 : memref<200x128xf32, #tpu.memory_space<hbm>>) dst(%dma_wait3A_113 : memref<200x128xf32, #tpu.memory_space<vmem_shared>>)
        tpu.yield
      }) : () -> ()
    }
    %broadcast_in_dim3A = arith.constant 0.000000e+00 : f32
    %broadcast_in_dim3A_14 = vector.broadcast %broadcast_in_dim3A : f32 to vector<16xf32>
    %scan3A = arith.constant 0 : i32
    %scan3A_15 = arith.constant 128 : i32
    %scan3A_16 = arith.addi %scan3A, %scan3A_15 : i32
    %scan3A_17 = arith.constant 1 : i32
    scf.for %scan3A_102 = %scan3A to %scan3A_16 step %scan3A_17  : i32 {
      %mul3A = arith.constant 1 : i32
      %mul3A_103 = arith.muli %scan3A_102, %mul3A : i32
      %add3A_104 = arith.constant 0 : i32
      %add3A_105 = arith.addi %add3A_104, %mul3A_103 : i32
      %swap3A = arith.index_cast %add3A_105 : i32 to index
      %swap3A_106 = arith.constant 0 : index
      %swap3A_107 = tpu.vector_load %arg7[%swap3A, %swap3A_106] {strides = array<i32>} : memref<128x128xf32, #tpu.memory_space<vmem>>, vector<16xf32>,
      tpu.vector_store %arg7[%swap3A, %swap3A_106], %broadcast_in_dim3A_14 {strides = array<i32>} : memref<128x128xf32, #tpu.memory_space<vmem>>, vector<16xf32>,
      %swap3A_108 = arith.index_cast %add3A_105 : i32 to index
      %swap3A_109 = arith.constant 16 : index
      %swap3A_110 = tpu.vector_load %arg7[%swap3A_108, %swap3A_109] {strides = array<i32>} : memref<128x128xf32, #tpu.memory_space<vmem>>, vector<16xf32>,
      tpu.vector_store %arg7[%swap3A_108, %swap3A_109], %broadcast_in_dim3A_14 {strides = array<i32>} : memref<128x128xf32, #tpu.memory_space<vmem>>, vector<16xf32>,
      %swap3A_111 = arith.index_cast %add3A_105 : i32 to index
      %swap3A_112 = arith.constant 32 : index
      %swap3A_113 = tpu.vector_load %arg7[%swap3A_111, %swap3A_112] {strides = array<i32>} : memref<128x128xf32, #tpu.memory_space<vmem>>, vector<16xf32>,
      tpu.vector_store %arg7[%swap3A_111, %swap3A_112], %broadcast_in_dim3A_14 {strides = array<i32>} : memref<128x128xf32, #tpu.memory_space<vmem>>, vector<16xf32>,
      %swap3A_114 = arith.index_cast %add3A_105 : i32 to index
      %swap3A_115 = arith.constant 48 : index
      %swap3A_116 = tpu.vector_load %arg7[%swap3A_114, %swap3A_115] {strides = array<i32>} : memref<128x128xf32, #tpu.memory_space<vmem>>, vector<16xf32>,
      tpu.vector_store %arg7[%swap3A_114, %swap3A_115], %broadcast_in_dim3A_14 {strides = array<i32>} : memref<128x128xf32, #tpu.memory_space<vmem>>, vector<16xf32>,
      %swap3A_117 = arith.index_cast %add3A_105 : i32 to index
      %swap3A_118 = arith.constant 64 : index
      %swap3A_119 = tpu.vector_load %arg7[%swap3A_117, %swap3A_118] {strides = array<i32>} : memref<128x128xf32, #tpu.memory_space<vmem>>, vector<16xf32>,
      tpu.vector_store %arg7[%swap3A_117, %swap3A_118], %broadcast_in_dim3A_14 {strides = array<i32>} : memref<128x128xf32, #tpu.memory_space<vmem>>, vector<16xf32>,
      %swap3A_120 = arith.index_cast %add3A_105 : i32 to index
      %swap3A_121 = arith.constant 80 : index
      %swap3A_122 = tpu.vector_load %arg7[%swap3A_120, %swap3A_121] {strides = array<i32>} : memref<128x128xf32, #tpu.memory_space<vmem>>, vector<16xf32>,
      tpu.vector_store %arg7[%swap3A_120, %swap3A_121], %broadcast_in_dim3A_14 {strides = array<i32>} : memref<128x128xf32, #tpu.memory_space<vmem>>, vector<16xf32>,
      %swap3A_123 = arith.index_cast %add3A_105 : i32 to index
      %swap3A_124 = arith.constant 96 : index
      %swap3A_125 = tpu.vector_load %arg7[%swap3A_123, %swap3A_124] {strides = array<i32>} : memref<128x128xf32, #tpu.memory_space<vmem>>, vector<16xf32>,
      tpu.vector_store %arg7[%swap3A_123, %swap3A_124], %broadcast_in_dim3A_14 {strides = array<i32>} : memref<128x128xf32, #tpu.memory_space<vmem>>, vector<16xf32>,
      %swap3A_126 = arith.index_cast %add3A_105 : i32 to index
      %swap3A_127 = arith.constant 112 : index
      %swap3A_128 = tpu.vector_load %arg7[%swap3A_126, %swap3A_127] {strides = array<i32>} : memref<128x128xf32, #tpu.memory_space<vmem>>, vector<16xf32>,
      tpu.vector_store %arg7[%swap3A_126, %swap3A_127], %broadcast_in_dim3A_14 {strides = array<i32>} : memref<128x128xf32, #tpu.memory_space<vmem>>, vector<16xf32>,
    }
    %scan3A_18 = arith.constant 128 : i32
    %sub3A_19 = arith.constant 39 : i32
    %sub3A_20 = arith.subi %sub3A_19, %arg1 : i32
    %sub3A_21 = arith.constant 16 : i32
    %sub3A_22 = arith.constant 1 : i32
    %sub3A_23 = arith.subi %sub3A_21, %sub3A_22 : i32
    %add3A_24 = arith.addi %sub3A_20, %sub3A_23 : i32
    %div3A_25 = arith.constant 16 : i32
    %div3A_26 = arith.divsi %add3A_24, %div3A_25 : i32
    %while3A_27 = arith.constant 16 : i32
    %while3A_28 = arith.constant 0 : i32
    %while3A_29 = arith.subi %div3A_26, %while3A_28 : i32
    %while3A_30 = arith.addi %while3A_28, %while3A_29 : i32
    %while3A_31 = arith.constant 1 : i32
    %while3A_32 = arith.divsi %while3A_29, %while3A_31 : i32
    %while3A_33 = arith.muli %while3A_32, %while3A_31 : i32
    %while3A_34 = arith.addi %while3A_28, %while3A_33 : i32
    %while3A_35 = arith.constant 1 : i32
    scf.for %while3A_102 = %while3A_28 to %while3A_34 step %while3A_35  : i32 {
      %mul3A = arith.muli %while3A_102, %while3A_27 : i32
      %add3A_103 = arith.addi %arg1, %mul3A : i32
      %mul3A_104 = arith.constant 128 : i32
      %mul3A_105 = arith.muli %add3A_103, %mul3A_104 : i32
      "tpu.region"() ({
        %run_scoped3A = tpu.sem_alloc : memref<!tpu.dma_semaphore, #tpu.memory_space<semaphore_mem>>
        %dma_start3A_106 = arith.constant 0 : i32
        %dma_start3A_107 = tpu.memref_slice %arg10[%mul3A_105, %dma_start3A_106] : memref<5008x128xf32, #tpu.memory_space<vmem_shared>> -> memref<128x128xf32, #tpu.memory_space<vmem_shared>>
        %dma_start3A_108 = arith.constant 0 : i32
        %dma_start3A_109 = tpu.memref_slice %arg10[%mul3A_105, %dma_start3A_108] : memref<5008x128xf32, #tpu.memory_space<vmem_shared>> -> memref<128x128xf32, #tpu.memory_space<vmem_shared>>
        tpu.enqueue_dma source(%arg7 : memref<128x128xf32, #tpu.memory_space<vmem>>) target(%dma_start3A_109 : memref<128x128xf32, #tpu.memory_space<vmem_shared>>) target_semaphore(%run_scoped3A : memref<!tpu.dma_semaphore, #tpu.memory_space<semaphore_mem>>)
        %dma_wait3A_110 = arith.constant 0 : i32
        %dma_wait3A_111 = tpu.memref_slice %arg10[%mul3A_105, %dma_wait3A_110] : memref<5008x128xf32, #tpu.memory_space<vmem_shared>> -> memref<128x128xf32, #tpu.memory_space<vmem_shared>>
        %dma_wait3A_112 = arith.constant 0 : i32
        %dma_wait3A_113 = tpu.memref_slice %arg10[%mul3A_105, %dma_wait3A_112] : memref<5008x128xf32, #tpu.memory_space<vmem_shared>> -> memref<128x128xf32, #tpu.memory_space<vmem_shared>>
        tpu.wait_dma2 semaphore(%run_scoped3A : memref<!tpu.dma_semaphore, #tpu.memory_space<semaphore_mem>>) src(%arg7 : memref<128x128xf32, #tpu.memory_space<vmem>>) dst(%dma_wait3A_113 : memref<128x128xf32, #tpu.memory_space<vmem_shared>>)
        tpu.yield
      }) : () -> ()
    }
    %while3A_36 = arith.constant 1 : i32
    scf.for %while3A_102 = %while3A_34 to %while3A_30 step %while3A_36  : i32 {
      %mul3A = arith.muli %while3A_102, %while3A_27 : i32
      %add3A_103 = arith.addi %arg1, %mul3A : i32
      %mul3A_104 = arith.constant 128 : i32
      %mul3A_105 = arith.muli %add3A_103, %mul3A_104 : i32
      "tpu.region"() ({
        %run_scoped3A = tpu.sem_alloc : memref<!tpu.dma_semaphore, #tpu.memory_space<semaphore_mem>>
        %dma_start3A_106 = arith.constant 0 : i32
        %dma_start3A_107 = tpu.memref_slice %arg10[%mul3A_105, %dma_start3A_106] : memref<5008x128xf32, #tpu.memory_space<vmem_shared>> -> memref<128x128xf32, #tpu.memory_space<vmem_shared>>
        %dma_start3A_108 = arith.constant 0 : i32
        %dma_start3A_109 = tpu.memref_slice %arg10[%mul3A_105, %dma_start3A_108] : memref<5008x128xf32, #tpu.memory_space<vmem_shared>> -> memref<128x128xf32, #tpu.memory_space<vmem_shared>>
        tpu.enqueue_dma source(%arg7 : memref<128x128xf32, #tpu.memory_space<vmem>>) target(%dma_start3A_109 : memref<128x128xf32, #tpu.memory_space<vmem_shared>>) target_semaphore(%run_scoped3A : memref<!tpu.dma_semaphore, #tpu.memory_space<semaphore_mem>>)
        %dma_wait3A_110 = arith.constant 0 : i32
        %dma_wait3A_111 = tpu.memref_slice %arg10[%mul3A_105, %dma_wait3A_110] : memref<5008x128xf32, #tpu.memory_space<vmem_shared>> -> memref<128x128xf32, #tpu.memory_space<vmem_shared>>
        %dma_wait3A_112 = arith.constant 0 : i32
        %dma_wait3A_113 = tpu.memref_slice %arg10[%mul3A_105, %dma_wait3A_112] : memref<5008x128xf32, #tpu.memory_space<vmem_shared>> -> memref<128x128xf32, #tpu.memory_space<vmem_shared>>
        tpu.wait_dma2 semaphore(%run_scoped3A : memref<!tpu.dma_semaphore, #tpu.memory_space<semaphore_mem>>) src(%arg7 : memref<128x128xf32, #tpu.memory_space<vmem>>) dst(%dma_wait3A_113 : memref<128x128xf32, #tpu.memory_space<vmem_shared>>)
        tpu.yield
      }) : () -> ()
    }
    %eq3A = arith.constant 0 : i32
    %eq3A_37 = arith.cmpi eq, %arg1, %eq3A : i32
    %convert_element_type3A = arith.extui %eq3A_37 : i1 to i32
    %cond3A = arith.constant 0 : i32
    %cond3A_38 = arith.cmpi ne, %convert_element_type3A, %cond3A : i32
    scf.if %cond3A_38 {
      "tpu.region"() ({
        %run_scoped3A = tpu.sem_alloc : memref<!tpu.dma_semaphore, #tpu.memory_space<semaphore_mem>>
        %dma_start3A_102 = arith.constant 0 : i32
        %dma_start3A_103 = arith.constant 0 : i32
        %dma_start3A_104 = tpu.memref_slice %arg7[%dma_start3A_102, %dma_start3A_103] : memref<128x128xf32, #tpu.memory_space<vmem>> -> memref<16x128xf32, #tpu.memory_space<vmem>>
        %dma_start3A_105 = arith.constant 4992 : i32
        %dma_start3A_106 = arith.constant 0 : i32
        %dma_start3A_107 = tpu.memref_slice %arg10[%dma_start3A_105, %dma_start3A_106] : memref<5008x128xf32, #tpu.memory_space<vmem_shared>> -> memref<16x128xf32, #tpu.memory_space<vmem_shared>>
        %dma_start3A_108 = arith.constant 4992 : i32
        %dma_start3A_109 = arith.constant 0 : i32
        %dma_start3A_110 = tpu.memref_slice %arg10[%dma_start3A_108, %dma_start3A_109] : memref<5008x128xf32, #tpu.memory_space<vmem_shared>> -> memref<16x128xf32, #tpu.memory_space<vmem_shared>>
        %dma_start3A_111 = arith.constant 0 : i32
        %dma_start3A_112 = arith.constant 0 : i32
        %dma_start3A_113 = tpu.memref_slice %arg7[%dma_start3A_111, %dma_start3A_112] : memref<128x128xf32, #tpu.memory_space<vmem>> -> memref<16x128xf32, #tpu.memory_space<vmem>>
        tpu.enqueue_dma source(%dma_start3A_113 : memref<16x128xf32, #tpu.memory_space<vmem>>) target(%dma_start3A_110 : memref<16x128xf32, #tpu.memory_space<vmem_shared>>) target_semaphore(%run_scoped3A : memref<!tpu.dma_semaphore, #tpu.memory_space<semaphore_mem>>)
        %dma_wait3A_114 = arith.constant 0 : i32
        %dma_wait3A_115 = arith.constant 0 : i32
        %dma_wait3A_116 = tpu.memref_slice %arg7[%dma_wait3A_114, %dma_wait3A_115] : memref<128x128xf32, #tpu.memory_space<vmem>> -> memref<16x128xf32, #tpu.memory_space<vmem>>
        %dma_wait3A_117 = arith.constant 4992 : i32
        %dma_wait3A_118 = arith.constant 0 : i32
        %dma_wait3A_119 = tpu.memref_slice %arg10[%dma_wait3A_117, %dma_wait3A_118] : memref<5008x128xf32, #tpu.memory_space<vmem_shared>> -> memref<16x128xf32, #tpu.memory_space<vmem_shared>>
        %dma_wait3A_120 = arith.constant 4992 : i32
        %dma_wait3A_121 = arith.constant 0 : i32
        %dma_wait3A_122 = tpu.memref_slice %arg10[%dma_wait3A_120, %dma_wait3A_121] : memref<5008x128xf32, #tpu.memory_space<vmem_shared>> -> memref<16x128xf32, #tpu.memory_space<vmem_shared>>
        %dma_wait3A_123 = arith.constant 0 : i32
        %dma_wait3A_124 = arith.constant 0 : i32
        %dma_wait3A_125 = tpu.memref_slice %arg7[%dma_wait3A_123, %dma_wait3A_124] : memref<128x128xf32, #tpu.memory_space<vmem>> -> memref<16x128xf32, #tpu.memory_space<vmem>>
        tpu.wait_dma2 semaphore(%run_scoped3A : memref<!tpu.dma_semaphore, #tpu.memory_space<semaphore_mem>>) src(%dma_wait3A_125 : memref<16x128xf32, #tpu.memory_space<vmem>>) dst(%dma_wait3A_122 : memref<16x128xf32, #tpu.memory_space<vmem_shared>>)
        tpu.yield
      }) : () -> ()
    } else {
    }
    %barrier3A = arith.constant 0 : index
    tpu.barrier barrier_id(%barrier3A)
    %iota3A = tpu.iota {dimensions = array<i32: 0>} : vector<16xi32>
    %dma_start3A = arith.constant 0 : i32
    %dma_start3A_39 = arith.constant 0 : i32
    %dma_start3A_40 = arith.constant 0 : i32
    %dma_start3A_41 = tpu.memref_slice %arg2[%arg0, %arg1, %dma_start3A, %dma_start3A_39, %dma_start3A_40] : memref<2x16x160x4x128xi32, #tpu.memory_space<hbm>> -> memref<1x1x1x4x128xi32, #tpu.memory_space<hbm>>
    %dma_start3A_42 = tpu.memref_squeeze %dma_start3A_41 : memref<1x1x1x4x128xi32, #tpu.memory_space<hbm>> -> memref<4x128xi32, #tpu.memory_space<hbm>>
    %dma_start3A_43 = arith.constant 0 : i32
    %dma_start3A_44 = arith.constant 0 : i32
    %dma_start3A_45 = tpu.memref_slice %arg2[%arg0, %arg1, %dma_start3A, %dma_start3A_43, %dma_start3A_44] : memref<2x16x160x4x128xi32, #tpu.memory_space<hbm>> -> memref<1x1x1x4x128xi32, #tpu.memory_space<hbm>>
    %dma_start3A_46 = tpu.memref_squeeze %dma_start3A_45 : memref<1x1x1x4x128xi32, #tpu.memory_space<hbm>> -> memref<4x128xi32, #tpu.memory_space<hbm>>
    tpu.enqueue_dma source(%dma_start3A_46 : memref<4x128xi32, #tpu.memory_space<hbm>>) target(%arg5 : memref<4x128xi32, #tpu.memory_space<vmem>>) target_semaphore(%arg15 : memref<!tpu.dma_semaphore, #tpu.memory_space<semaphore_mem>>)
    %dma_start3A_47 = arith.constant 1 : i32
    %dma_start3A_48 = arith.constant 0 : i32
    %dma_start3A_49 = arith.constant 0 : i32
    %dma_start3A_50 = tpu.memref_slice %arg2[%arg0, %arg1, %dma_start3A_47, %dma_start3A_48, %dma_start3A_49] : memref<2x16x160x4x128xi32, #tpu.memory_space<hbm>> -> memref<1x1x1x4x128xi32, #tpu.memory_space<hbm>>
    %dma_start3A_51 = tpu.memref_squeeze %dma_start3A_50 : memref<1x1x1x4x128xi32, #tpu.memory_space<hbm>> -> memref<4x128xi32, #tpu.memory_space<hbm>>
    %dma_start3A_52 = arith.constant 0 : i32
    %dma_start3A_53 = arith.constant 0 : i32
    %dma_start3A_54 = tpu.memref_slice %arg2[%arg0, %arg1, %dma_start3A_47, %dma_start3A_52, %dma_start3A_53] : memref<2x16x160x4x128xi32, #tpu.memory_space<hbm>> -> memref<1x1x1x4x128xi32, #tpu.memory_space<hbm>>
    %dma_start3A_55 = tpu.memref_squeeze %dma_start3A_54 : memref<1x1x1x4x128xi32, #tpu.memory_space<hbm>> -> memref<4x128xi32, #tpu.memory_space<hbm>>
    tpu.enqueue_dma source(%dma_start3A_55 : memref<4x128xi32, #tpu.memory_space<hbm>>) target(%arg6 : memref<4x128xi32, #tpu.memory_space<vmem>>) target_semaphore(%arg16 : memref<!tpu.dma_semaphore, #tpu.memory_space<semaphore_mem>>)
    %dma_wait3A = arith.constant 0 : i32
    %dma_wait3A_56 = arith.constant 0 : i32
    %dma_wait3A_57 = arith.constant 0 : i32
    %dma_wait3A_58 = tpu.memref_slice %arg2[%arg0, %arg1, %dma_wait3A, %dma_wait3A_56, %dma_wait3A_57] : memref<2x16x160x4x128xi32, #tpu.memory_space<hbm>> -> memref<1x1x1x4x128xi32, #tpu.memory_space<hbm>>
    %dma_wait3A_59 = tpu.memref_squeeze %dma_wait3A_58 : memref<1x1x1x4x128xi32, #tpu.memory_space<hbm>> -> memref<4x128xi32, #tpu.memory_space<hbm>>
    %dma_wait3A_60 = arith.constant 0 : i32
    %dma_wait3A_61 = arith.constant 0 : i32
    %dma_wait3A_62 = tpu.memref_slice %arg2[%arg0, %arg1, %dma_wait3A, %dma_wait3A_60, %dma_wait3A_61] : memref<2x16x160x4x128xi32, #tpu.memory_space<hbm>> -> memref<1x1x1x4x128xi32, #tpu.memory_space<hbm>>
    %dma_wait3A_63 = tpu.memref_squeeze %dma_wait3A_62 : memref<1x1x1x4x128xi32, #tpu.memory_space<hbm>> -> memref<4x128xi32, #tpu.memory_space<hbm>>
    tpu.wait_dma2 semaphore(%arg15 : memref<!tpu.dma_semaphore, #tpu.memory_space<semaphore_mem>>) src(%dma_wait3A_63 : memref<4x128xi32, #tpu.memory_space<hbm>>) dst(%arg5 : memref<4x128xi32, #tpu.memory_space<vmem>>)
    %dma_start3A_64 = arith.constant 1 : i32
    %dma_start3A_65 = arith.constant 0 : i32
    %dma_start3A_66 = tpu.memref_slice %arg5[%dma_start3A_64, %dma_start3A_65] : memref<4x128xi32, #tpu.memory_space<vmem>> -> memref<1x128xi32, #tpu.memory_space<vmem>>
    %dma_start3A_67 = tpu.memref_squeeze %dma_start3A_66 : memref<1x128xi32, #tpu.memory_space<vmem>> -> memref<128xi32, #tpu.memory_space<vmem>>
    %dma_start3A_68 = arith.constant 0 : i32
    %dma_start3A_69 = arith.constant 0 : i32
    %dma_start3A_70 = tpu.memref_slice %arg9[%dma_start3A_68, %dma_start3A_69] : memref<5000x128xf32, #tpu.memory_space<vmem_shared>> -> memref<5000x128xf32, #tpu.memory_space<vmem_shared>>
    tpu.enqueue_indirect_dma source(%dma_start3A_70 : memref<5000x128xf32, #tpu.memory_space<vmem_shared>>) target(%arg7 : memref<128x128xf32, #tpu.memory_space<vmem>>) offsets(%dma_start3A_67 : memref<128xi32, #tpu.memory_space<vmem>>) semaphore(%arg11 : memref<!tpu.dma_semaphore, #tpu.memory_space<semaphore_mem>>)
    %scan3A_71 = arith.constant 0 : i32
    %scan3A_72 = arith.constant 80 : i32
    %scan3A_73 = arith.addi %scan3A_71, %scan3A_72 : i32
    %scan3A_74 = arith.constant 1 : i32
    scf.for %scan3A_102 = %scan3A_71 to %scan3A_73 step %scan3A_74  : i32 {
      %mul3A = arith.constant 1 : i32
      %mul3A_103 = arith.muli %scan3A_102, %mul3A : i32
      %add3A_104 = arith.constant 0 : i32
      %add3A_105 = arith.addi %add3A_104, %mul3A_103 : i32
      %mul3A_106 = arith.constant 2 : i32
      %mul3A_107 = arith.muli %mul3A_106, %add3A_105 : i32
      %dma_wait3A_108 = arith.constant 1 : i32
      %dma_wait3A_109 = arith.constant 0 : i32
      %dma_wait3A_110 = tpu.memref_slice %arg5[%dma_wait3A_108, %dma_wait3A_109] : memref<4x128xi32, #tpu.memory_space<vmem>> -> memref<1x128xi32, #tpu.memory_space<vmem>>
      %dma_wait3A_111 = tpu.memref_squeeze %dma_wait3A_110 : memref<1x128xi32, #tpu.memory_space<vmem>> -> memref<128xi32, #tpu.memory_space<vmem>>
      %dma_wait3A_112 = arith.constant 0 : i32
      %dma_wait3A_113 = arith.constant 0 : i32
      %dma_wait3A_114 = tpu.memref_slice %arg9[%dma_wait3A_112, %dma_wait3A_113] : memref<5000x128xf32, #tpu.memory_space<vmem_shared>> -> memref<5000x128xf32, #tpu.memory_space<vmem_shared>>
      tpu.wait_indirect_dma semaphore(%arg11 : memref<!tpu.dma_semaphore, #tpu.memory_space<semaphore_mem>>) src(%dma_wait3A_114 : memref<5000x128xf32, #tpu.memory_space<vmem_shared>>) dst(%arg7 : memref<128x128xf32, #tpu.memory_space<vmem>>)
      %gt3A = arith.constant 0 : i32
      %gt3A_115 = arith.cmpi sgt, %add3A_105, %gt3A : i32
      %convert_element_type3A_116 = arith.extui %gt3A_115 : i1 to i32
      %cond3A_117 = arith.constant 0 : i32
      %cond3A_118 = arith.cmpi ne, %convert_element_type3A_116, %cond3A_117 : i32
      scf.if %cond3A_118 {
        %dma_wait3A_188 = arith.constant 0 : i32
        %dma_wait3A_189 = arith.constant 0 : i32
        %dma_wait3A_190 = tpu.memref_slice %arg6[%dma_wait3A_188, %dma_wait3A_189] : memref<4x128xi32, #tpu.memory_space<vmem>> -> memref<1x128xi32, #tpu.memory_space<vmem>>
        %dma_wait3A_191 = tpu.memref_squeeze %dma_wait3A_190 : memref<1x128xi32, #tpu.memory_space<vmem>> -> memref<128xi32, #tpu.memory_space<vmem>>
        %dma_wait3A_192 = arith.constant 0 : i32
        %dma_wait3A_193 = arith.constant 0 : i32
        %dma_wait3A_194 = tpu.memref_slice %arg10[%dma_wait3A_192, %dma_wait3A_193] : memref<5008x128xf32, #tpu.memory_space<vmem_shared>> -> memref<5008x128xf32, #tpu.memory_space<vmem_shared>>
        tpu.wait_indirect_dma semaphore(%arg14 : memref<!tpu.dma_semaphore, #tpu.memory_space<semaphore_mem>>) src(%arg8 : memref<128x128xf32, #tpu.memory_space<vmem>>) dst(%dma_wait3A_194 : memref<5008x128xf32, #tpu.memory_space<vmem_shared>>)
      } else {
      }
      %dma_wait3A_119 = arith.constant 0 : i32
      %dma_wait3A_120 = arith.constant 0 : i32
      %dma_wait3A_121 = arith.constant 0 : i32
      %dma_wait3A_122 = tpu.memref_slice %arg2[%arg0, %arg1, %dma_wait3A_119, %dma_wait3A_120, %dma_wait3A_121] : memref<2x16x160x4x128xi32, #tpu.memory_space<hbm>> -> memref<1x1x1x4x128xi32, #tpu.memory_space<hbm>>
      %dma_wait3A_123 = tpu.memref_squeeze %dma_wait3A_122 : memref<1x1x1x4x128xi32, #tpu.memory_space<hbm>> -> memref<4x128xi32, #tpu.memory_space<hbm>>
      %dma_wait3A_124 = arith.constant 0 : i32
      %dma_wait3A_125 = arith.constant 0 : i32
      %dma_wait3A_126 = tpu.memref_slice %arg2[%arg0, %arg1, %dma_wait3A_119, %dma_wait3A_124, %dma_wait3A_125] : memref<2x16x160x4x128xi32, #tpu.memory_space<hbm>> -> memref<1x1x1x4x128xi32, #tpu.memory_space<hbm>>
      %dma_wait3A_127 = tpu.memref_squeeze %dma_wait3A_126 : memref<1x1x1x4x128xi32, #tpu.memory_space<hbm>> -> memref<4x128xi32, #tpu.memory_space<hbm>>
      tpu.wait_dma2 semaphore(%arg16 : memref<!tpu.dma_semaphore, #tpu.memory_space<semaphore_mem>>) src(%dma_wait3A_127 : memref<4x128xi32, #tpu.memory_space<hbm>>) dst(%arg6 : memref<4x128xi32, #tpu.memory_space<vmem>>)
      %dma_start3A_128 = arith.constant 1 : i32
      %dma_start3A_129 = arith.constant 0 : i32
      %dma_start3A_130 = tpu.memref_slice %arg6[%dma_start3A_128, %dma_start3A_129] : memref<4x128xi32, #tpu.memory_space<vmem>> -> memref<1x128xi32, #tpu.memory_space<vmem>>
      %dma_start3A_131 = tpu.memref_squeeze %dma_start3A_130 : memref<1x128xi32, #tpu.memory_space<vmem>> -> memref<128xi32, #tpu.memory_space<vmem>>
      %dma_start3A_132 = arith.constant 0 : i32
      %dma_start3A_133 = arith.constant 0 : i32
      %dma_start3A_134 = tpu.memref_slice %arg9[%dma_start3A_132, %dma_start3A_133] : memref<5000x128xf32, #tpu.memory_space<vmem_shared>> -> memref<5000x128xf32, #tpu.memory_space<vmem_shared>>
      tpu.enqueue_indirect_dma source(%dma_start3A_134 : memref<5000x128xf32, #tpu.memory_space<vmem_shared>>) target(%arg8 : memref<128x128xf32, #tpu.memory_space<vmem>>) offsets(%dma_start3A_131 : memref<128xi32, #tpu.memory_space<vmem>>) semaphore(%arg12 : memref<!tpu.dma_semaphore, #tpu.memory_space<semaphore_mem>>)
      %parallel_loop3A = arith.constant 0 : i32
      %parallel_loop3A_135 = arith.constant 128 : i32
      %parallel_loop3A_136 = arith.constant 1 : i32
      scf.for %parallel_loop3A_188 = %parallel_loop3A to %parallel_loop3A_135 step %parallel_loop3A_136  : i32 {
        %parallel_loop3A_189 = vector.broadcast %parallel_loop3A_188 : i32 to vector<16xi32>
        %parallel_loop3A_190 = arith.constant 2 : i32
        %parallel_loop3A_191 = vector.broadcast %parallel_loop3A_190 : i32 to vector<16xi32>
        %parallel_loop3A_192 = tpu.vector_load_idx %arg5[%parallel_loop3A_191, %parallel_loop3A_189] : memref<4x128xi32, #tpu.memory_space<vmem>>[vector<16xi32>, vector<16xi32>], vector<16xi32>,
        %parallel_loop3A_193 = arith.constant 3 : i32
        %parallel_loop3A_194 = vector.broadcast %parallel_loop3A_193 : i32 to vector<16xi32>
        %parallel_loop3A_195 = tpu.vector_load_idx %arg5[%parallel_loop3A_194, %parallel_loop3A_189] : memref<4x128xi32, #tpu.memory_space<vmem>>[vector<16xi32>, vector<16xi32>], vector<16xi32>,
        %parallel_loop3A_196 = vector.bitcast %parallel_loop3A_195 : vector<16xi32> to vector<32xbf16>
        %parallel_loop3A_197 = arith.constant 64 : i32
        %parallel_loop3A_198 = vector.broadcast %parallel_loop3A_197 : i32 to vector<16xi32>
        %parallel_loop3A_199 = arith.muli %parallel_loop3A_192, %parallel_loop3A_198 : vector<16xi32>
        %parallel_loop3A_200 = arith.addi %parallel_loop3A_199, %iota3A : vector<16xi32>
        %parallel_loop3A_201 = arith.constant 0 : i32
        %parallel_loop3A_202 = vector.broadcast %parallel_loop3A_201 : i32 to vector<16xi32>
        %parallel_loop3A_203 = arith.addi %parallel_loop3A_200, %parallel_loop3A_202 : vector<16xi32>
        %parallel_loop3A_204 = tpu.vector_load_idx %arg7[%parallel_loop3A_189, %parallel_loop3A_203] : memref<128x128xf32, #tpu.memory_space<vmem>>[vector<16xi32>, vector<16xi32>], vector<16xf32>,
        %parallel_loop3A_205 = arith.constant 16 : i32
        %parallel_loop3A_206 = vector.broadcast %parallel_loop3A_205 : i32 to vector<16xi32>
        %parallel_loop3A_207 = arith.addi %parallel_loop3A_200, %parallel_loop3A_206 : vector<16xi32>
        %parallel_loop3A_208 = tpu.vector_load_idx %arg7[%parallel_loop3A_189, %parallel_loop3A_207] : memref<128x128xf32, #tpu.memory_space<vmem>>[vector<16xi32>, vector<16xi32>], vector<16xf32>,
        %parallel_loop3A_209 = arith.constant 32 : i32
        %parallel_loop3A_210 = vector.broadcast %parallel_loop3A_209 : i32 to vector<16xi32>
        %parallel_loop3A_211 = arith.addi %parallel_loop3A_200, %parallel_loop3A_210 : vector<16xi32>
        %parallel_loop3A_212 = tpu.vector_load_idx %arg7[%parallel_loop3A_189, %parallel_loop3A_211] : memref<128x128xf32, #tpu.memory_space<vmem>>[vector<16xi32>, vector<16xi32>], vector<16xf32>,
        %parallel_loop3A_213 = arith.constant 48 : i32
        %parallel_loop3A_214 = vector.broadcast %parallel_loop3A_213 : i32 to vector<16xi32>
        %parallel_loop3A_215 = arith.addi %parallel_loop3A_200, %parallel_loop3A_214 : vector<16xi32>
        %parallel_loop3A_216 = tpu.vector_load_idx %arg7[%parallel_loop3A_189, %parallel_loop3A_215] : memref<128x128xf32, #tpu.memory_space<vmem>>[vector<16xi32>, vector<16xi32>], vector<16xf32>,
        %parallel_loop3A_217 = vector.bitcast %parallel_loop3A_204 : vector<16xf32> to vector<32xbf16>
        %parallel_loop3A_218 = arith.mulf %parallel_loop3A_217, %parallel_loop3A_196 : vector<32xbf16>
        %parallel_loop3A_219 = tpu.unpack_subelements %parallel_loop3A_218, 0 {pack_format = #tpu.pack_format<interleaved>} : vector<32xbf16> -> vector<16xf32>
        %parallel_loop3A_220 = tpu.unpack_subelements %parallel_loop3A_218, 1 {pack_format = #tpu.pack_format<interleaved>} : vector<32xbf16> -> vector<16xf32>
        %parallel_loop3A_221 = arith.index_cast %parallel_loop3A_188 : i32 to index
        %parallel_loop3A_222 = arith.constant 0 : index
        %parallel_loop3A_223 = tpu.vector_load %arg7[%parallel_loop3A_221, %parallel_loop3A_222] {strides = array<i32>} : memref<128x128xf32, #tpu.memory_space<vmem>>, vector<16xf32>,
        tpu.vector_store %arg7[%parallel_loop3A_221, %parallel_loop3A_222], %parallel_loop3A_219 {strides = array<i32>} : memref<128x128xf32, #tpu.memory_space<vmem>>, vector<16xf32>,
        %parallel_loop3A_224 = arith.index_cast %parallel_loop3A_188 : i32 to index
        %parallel_loop3A_225 = arith.constant 16 : index
        %parallel_loop3A_226 = tpu.vector_load %arg7[%parallel_loop3A_224, %parallel_loop3A_225] {strides = array<i32>} : memref<128x128xf32, #tpu.memory_space<vmem>>, vector<16xf32>,
        tpu.vector_store %arg7[%parallel_loop3A_224, %parallel_loop3A_225], %parallel_loop3A_220 {strides = array<i32>} : memref<128x128xf32, #tpu.memory_space<vmem>>, vector<16xf32>,
        %parallel_loop3A_227 = vector.bitcast %parallel_loop3A_208 : vector<16xf32> to vector<32xbf16>
        %parallel_loop3A_228 = arith.mulf %parallel_loop3A_227, %parallel_loop3A_196 : vector<32xbf16>
        %parallel_loop3A_229 = tpu.unpack_subelements %parallel_loop3A_228, 0 {pack_format = #tpu.pack_format<interleaved>} : vector<32xbf16> -> vector<16xf32>
        %parallel_loop3A_230 = tpu.unpack_subelements %parallel_loop3A_228, 1 {pack_format = #tpu.pack_format<interleaved>} : vector<32xbf16> -> vector<16xf32>
        %parallel_loop3A_231 = arith.index_cast %parallel_loop3A_188 : i32 to index
        %parallel_loop3A_232 = arith.constant 32 : index
        %parallel_loop3A_233 = tpu.vector_load %arg7[%parallel_loop3A_231, %parallel_loop3A_232] {strides = array<i32>} : memref<128x128xf32, #tpu.memory_space<vmem>>, vector<16xf32>,
        tpu.vector_store %arg7[%parallel_loop3A_231, %parallel_loop3A_232], %parallel_loop3A_229 {strides = array<i32>} : memref<128x128xf32, #tpu.memory_space<vmem>>, vector<16xf32>,
        %parallel_loop3A_234 = arith.index_cast %parallel_loop3A_188 : i32 to index
        %parallel_loop3A_235 = arith.constant 48 : index
        %parallel_loop3A_236 = tpu.vector_load %arg7[%parallel_loop3A_234, %parallel_loop3A_235] {strides = array<i32>} : memref<128x128xf32, #tpu.memory_space<vmem>>, vector<16xf32>,
        tpu.vector_store %arg7[%parallel_loop3A_234, %parallel_loop3A_235], %parallel_loop3A_230 {strides = array<i32>} : memref<128x128xf32, #tpu.memory_space<vmem>>, vector<16xf32>,
        %parallel_loop3A_237 = vector.bitcast %parallel_loop3A_212 : vector<16xf32> to vector<32xbf16>
        %parallel_loop3A_238 = arith.mulf %parallel_loop3A_237, %parallel_loop3A_196 : vector<32xbf16>
        %parallel_loop3A_239 = tpu.unpack_subelements %parallel_loop3A_238, 0 {pack_format = #tpu.pack_format<interleaved>} : vector<32xbf16> -> vector<16xf32>
        %parallel_loop3A_240 = tpu.unpack_subelements %parallel_loop3A_238, 1 {pack_format = #tpu.pack_format<interleaved>} : vector<32xbf16> -> vector<16xf32>
        %parallel_loop3A_241 = arith.index_cast %parallel_loop3A_188 : i32 to index
        %parallel_loop3A_242 = arith.constant 64 : index
        %parallel_loop3A_243 = tpu.vector_load %arg7[%parallel_loop3A_241, %parallel_loop3A_242] {strides = array<i32>} : memref<128x128xf32, #tpu.memory_space<vmem>>, vector<16xf32>,
        tpu.vector_store %arg7[%parallel_loop3A_241, %parallel_loop3A_242], %parallel_loop3A_239 {strides = array<i32>} : memref<128x128xf32, #tpu.memory_space<vmem>>, vector<16xf32>,
        %parallel_loop3A_244 = arith.index_cast %parallel_loop3A_188 : i32 to index
        %parallel_loop3A_245 = arith.constant 80 : index
        %parallel_loop3A_246 = tpu.vector_load %arg7[%parallel_loop3A_244, %parallel_loop3A_245] {strides = array<i32>} : memref<128x128xf32, #tpu.memory_space<vmem>>, vector<16xf32>,
        tpu.vector_store %arg7[%parallel_loop3A_244, %parallel_loop3A_245], %parallel_loop3A_240 {strides = array<i32>} : memref<128x128xf32, #tpu.memory_space<vmem>>, vector<16xf32>,
        %parallel_loop3A_247 = vector.bitcast %parallel_loop3A_216 : vector<16xf32> to vector<32xbf16>
        %parallel_loop3A_248 = arith.mulf %parallel_loop3A_247, %parallel_loop3A_196 : vector<32xbf16>
        %parallel_loop3A_249 = tpu.unpack_subelements %parallel_loop3A_248, 0 {pack_format = #tpu.pack_format<interleaved>} : vector<32xbf16> -> vector<16xf32>
        %parallel_loop3A_250 = tpu.unpack_subelements %parallel_loop3A_248, 1 {pack_format = #tpu.pack_format<interleaved>} : vector<32xbf16> -> vector<16xf32>
        %parallel_loop3A_251 = arith.index_cast %parallel_loop3A_188 : i32 to index
        %parallel_loop3A_252 = arith.constant 96 : index
        %parallel_loop3A_253 = tpu.vector_load %arg7[%parallel_loop3A_251, %parallel_loop3A_252] {strides = array<i32>} : memref<128x128xf32, #tpu.memory_space<vmem>>, vector<16xf32>,
        tpu.vector_store %arg7[%parallel_loop3A_251, %parallel_loop3A_252], %parallel_loop3A_249 {strides = array<i32>} : memref<128x128xf32, #tpu.memory_space<vmem>>, vector<16xf32>,
        %parallel_loop3A_254 = arith.index_cast %parallel_loop3A_188 : i32 to index
        %parallel_loop3A_255 = arith.constant 112 : index
        %parallel_loop3A_256 = tpu.vector_load %arg7[%parallel_loop3A_254, %parallel_loop3A_255] {strides = array<i32>} : memref<128x128xf32, #tpu.memory_space<vmem>>, vector<16xf32>,
        tpu.vector_store %arg7[%parallel_loop3A_254, %parallel_loop3A_255], %parallel_loop3A_250 {strides = array<i32>} : memref<128x128xf32, #tpu.memory_space<vmem>>, vector<16xf32>,
      } {sc.loop_unroll_factor = 8 : i64, sc.parallel_access}
      %dma_start3A_137 = arith.constant 0 : i32
      %dma_start3A_138 = arith.constant 0 : i32
      %dma_start3A_139 = tpu.memref_slice %arg5[%dma_start3A_137, %dma_start3A_138] : memref<4x128xi32, #tpu.memory_space<vmem>> -> memref<1x128xi32, #tpu.memory_space<vmem>>
      %dma_start3A_140 = tpu.memref_squeeze %dma_start3A_139 : memref<1x128xi32, #tpu.memory_space<vmem>> -> memref<128xi32, #tpu.memory_space<vmem>>
      %dma_start3A_141 = arith.constant 0 : i32
      %dma_start3A_142 = arith.constant 0 : i32
      %dma_start3A_143 = tpu.memref_slice %arg10[%dma_start3A_141, %dma_start3A_142] : memref<5008x128xf32, #tpu.memory_space<vmem_shared>> -> memref<5008x128xf32, #tpu.memory_space<vmem_shared>>
      tpu.enqueue_indirect_dma source(%arg7 : memref<128x128xf32, #tpu.memory_space<vmem>>) target(%dma_start3A_143 : memref<5008x128xf32, #tpu.memory_space<vmem_shared>>) offsets(%dma_start3A_140 : memref<128xi32, #tpu.memory_space<vmem>>) semaphore(%arg13 : memref<!tpu.dma_semaphore, #tpu.memory_space<semaphore_mem>>) {add = true}
      %add3A_144 = arith.constant 1 : i32
      %add3A_145 = arith.addi %add3A_105, %add3A_144 : i32
      %lt3A = arith.constant 80 : i32
      %lt3A_146 = arith.cmpi slt, %add3A_145, %lt3A : i32
      %convert_element_type3A_147 = arith.extui %lt3A_146 : i1 to i32
      %cond3A_148 = arith.constant 0 : i32
      %cond3A_149 = arith.cmpi ne, %convert_element_type3A_147, %cond3A_148 : i32
      scf.if %cond3A_149 {
        %add3A_188 = arith.constant 2 : i32
        %add3A_189 = arith.addi %mul3A_107, %add3A_188 : i32
        %dma_start3A_190 = arith.constant 0 : i32
        %dma_start3A_191 = arith.constant 0 : i32
        %dma_start3A_192 = tpu.memref_slice %arg2[%arg0, %arg1, %add3A_189, %dma_start3A_190, %dma_start3A_191] : memref<2x16x160x4x128xi32, #tpu.memory_space<hbm>> -> memref<1x1x1x4x128xi32, #tpu.memory_space<hbm>>
        %dma_start3A_193 = tpu.memref_squeeze %dma_start3A_192 : memref<1x1x1x4x128xi32, #tpu.memory_space<hbm>> -> memref<4x128xi32, #tpu.memory_space<hbm>>
        %dma_start3A_194 = arith.constant 0 : i32
        %dma_start3A_195 = arith.constant 0 : i32
        %dma_start3A_196 = tpu.memref_slice %arg2[%arg0, %arg1, %add3A_189, %dma_start3A_194, %dma_start3A_195] : memref<2x16x160x4x128xi32, #tpu.memory_space<hbm>> -> memref<1x1x1x4x128xi32, #tpu.memory_space<hbm>>
        %dma_start3A_197 = tpu.memref_squeeze %dma_start3A_196 : memref<1x1x1x4x128xi32, #tpu.memory_space<hbm>> -> memref<4x128xi32, #tpu.memory_space<hbm>>
        tpu.enqueue_dma source(%dma_start3A_197 : memref<4x128xi32, #tpu.memory_space<hbm>>) target(%arg5 : memref<4x128xi32, #tpu.memory_space<vmem>>) target_semaphore(%arg15 : memref<!tpu.dma_semaphore, #tpu.memory_space<semaphore_mem>>)
      } else {
      }
      %dma_wait3A_150 = arith.constant 1 : i32
      %dma_wait3A_151 = arith.constant 0 : i32
      %dma_wait3A_152 = tpu.memref_slice %arg6[%dma_wait3A_150, %dma_wait3A_151] : memref<4x128xi32, #tpu.memory_space<vmem>> -> memref<1x128xi32, #tpu.memory_space<vmem>>
      %dma_wait3A_153 = tpu.memref_squeeze %dma_wait3A_152 : memref<1x128xi32, #tpu.memory_space<vmem>> -> memref<128xi32, #tpu.memory_space<vmem>>
      %dma_wait3A_154 = arith.constant 0 : i32
      %dma_wait3A_155 = arith.constant 0 : i32
      %dma_wait3A_156 = tpu.memref_slice %arg9[%dma_wait3A_154, %dma_wait3A_155] : memref<5000x128xf32, #tpu.memory_space<vmem_shared>> -> memref<5000x128xf32, #tpu.memory_space<vmem_shared>>
      tpu.wait_indirect_dma semaphore(%arg12 : memref<!tpu.dma_semaphore, #tpu.memory_space<semaphore_mem>>) src(%dma_wait3A_156 : memref<5000x128xf32, #tpu.memory_space<vmem_shared>>) dst(%arg8 : memref<128x128xf32, #tpu.memory_space<vmem>>)
      %dma_wait3A_157 = arith.constant 0 : i32
      %dma_wait3A_158 = arith.constant 0 : i32
      %dma_wait3A_159 = tpu.memref_slice %arg5[%dma_wait3A_157, %dma_wait3A_158] : memref<4x128xi32, #tpu.memory_space<vmem>> -> memref<1x128xi32, #tpu.memory_space<vmem>>
      %dma_wait3A_160 = tpu.memref_squeeze %dma_wait3A_159 : memref<1x128xi32, #tpu.memory_space<vmem>> -> memref<128xi32, #tpu.memory_space<vmem>>
      %dma_wait3A_161 = arith.constant 0 : i32
      %dma_wait3A_162 = arith.constant 0 : i32
      %dma_wait3A_163 = tpu.memref_slice %arg10[%dma_wait3A_161, %dma_wait3A_162] : memref<5008x128xf32, #tpu.memory_space<vmem_shared>> -> memref<5008x128xf32, #tpu.memory_space<vmem_shared>>
      tpu.wait_indirect_dma semaphore(%arg13 : memref<!tpu.dma_semaphore, #tpu.memory_space<semaphore_mem>>) src(%arg7 : memref<128x128xf32, #tpu.memory_space<vmem>>) dst(%dma_wait3A_163 : memref<5008x128xf32, #tpu.memory_space<vmem_shared>>)
      %add3A_164 = arith.constant 1 : i32
      %add3A_165 = arith.addi %add3A_105, %add3A_164 : i32
      %lt3A_166 = arith.constant 80 : i32
      %lt3A_167 = arith.cmpi slt, %add3A_165, %lt3A_166 : i32
      %convert_element_type3A_168 = arith.extui %lt3A_167 : i1 to i32
      %cond3A_169 = arith.constant 0 : i32
      %cond3A_170 = arith.cmpi ne, %convert_element_type3A_168, %cond3A_169 : i32
      scf.if %cond3A_170 {
        %dma_wait3A_188 = arith.constant 0 : i32
        %dma_wait3A_189 = arith.constant 0 : i32
        %dma_wait3A_190 = arith.constant 0 : i32
        %dma_wait3A_191 = tpu.memref_slice %arg2[%arg0, %arg1, %dma_wait3A_188, %dma_wait3A_189, %dma_wait3A_190] : memref<2x16x160x4x128xi32, #tpu.memory_space<hbm>> -> memref<1x1x1x4x128xi32, #tpu.memory_space<hbm>>
        %dma_wait3A_192 = tpu.memref_squeeze %dma_wait3A_191 : memref<1x1x1x4x128xi32, #tpu.memory_space<hbm>> -> memref<4x128xi32, #tpu.memory_space<hbm>>
        %dma_wait3A_193 = arith.constant 0 : i32
        %dma_wait3A_194 = arith.constant 0 : i32
        %dma_wait3A_195 = tpu.memref_slice %arg2[%arg0, %arg1, %dma_wait3A_188, %dma_wait3A_193, %dma_wait3A_194] : memref<2x16x160x4x128xi32, #tpu.memory_space<hbm>> -> memref<1x1x1x4x128xi32, #tpu.memory_space<hbm>>
        %dma_wait3A_196 = tpu.memref_squeeze %dma_wait3A_195 : memref<1x1x1x4x128xi32, #tpu.memory_space<hbm>> -> memref<4x128xi32, #tpu.memory_space<hbm>>
        tpu.wait_dma2 semaphore(%arg15 : memref<!tpu.dma_semaphore, #tpu.memory_space<semaphore_mem>>) src(%dma_wait3A_196 : memref<4x128xi32, #tpu.memory_space<hbm>>) dst(%arg5 : memref<4x128xi32, #tpu.memory_space<vmem>>)
        %dma_start3A_197 = arith.constant 1 : i32
        %dma_start3A_198 = arith.constant 0 : i32
        %dma_start3A_199 = tpu.memref_slice %arg5[%dma_start3A_197, %dma_start3A_198] : memref<4x128xi32, #tpu.memory_space<vmem>> -> memref<1x128xi32, #tpu.memory_space<vmem>>
        %dma_start3A_200 = tpu.memref_squeeze %dma_start3A_199 : memref<1x128xi32, #tpu.memory_space<vmem>> -> memref<128xi32, #tpu.memory_space<vmem>>
        %dma_start3A_201 = arith.constant 0 : i32
        %dma_start3A_202 = arith.constant 0 : i32
        %dma_start3A_203 = tpu.memref_slice %arg9[%dma_start3A_201, %dma_start3A_202] : memref<5000x128xf32, #tpu.memory_space<vmem_shared>> -> memref<5000x128xf32, #tpu.memory_space<vmem_shared>>
        tpu.enqueue_indirect_dma source(%dma_start3A_203 : memref<5000x128xf32, #tpu.memory_space<vmem_shared>>) target(%arg7 : memref<128x128xf32, #tpu.memory_space<vmem>>) offsets(%dma_start3A_200 : memref<128xi32, #tpu.memory_space<vmem>>) semaphore(%arg11 : memref<!tpu.dma_semaphore, #tpu.memory_space<semaphore_mem>>)
      } else {
      }
      %parallel_loop3A_171 = arith.constant 0 : i32
      %parallel_loop3A_172 = arith.constant 128 : i32
      %parallel_loop3A_173 = arith.constant 1 : i32
      scf.for %parallel_loop3A_188 = %parallel_loop3A_171 to %parallel_loop3A_172 step %parallel_loop3A_173  : i32 {
        %parallel_loop3A_189 = vector.broadcast %parallel_loop3A_188 : i32 to vector<16xi32>
        %parallel_loop3A_190 = arith.constant 2 : i32
        %parallel_loop3A_191 = vector.broadcast %parallel_loop3A_190 : i32 to vector<16xi32>
        %parallel_loop3A_192 = tpu.vector_load_idx %arg6[%parallel_loop3A_191, %parallel_loop3A_189] : memref<4x128xi32, #tpu.memory_space<vmem>>[vector<16xi32>, vector<16xi32>], vector<16xi32>,
        %parallel_loop3A_193 = arith.constant 3 : i32
        %parallel_loop3A_194 = vector.broadcast %parallel_loop3A_193 : i32 to vector<16xi32>
        %parallel_loop3A_195 = tpu.vector_load_idx %arg6[%parallel_loop3A_194, %parallel_loop3A_189] : memref<4x128xi32, #tpu.memory_space<vmem>>[vector<16xi32>, vector<16xi32>], vector<16xi32>,
        %parallel_loop3A_196 = vector.bitcast %parallel_loop3A_195 : vector<16xi32> to vector<32xbf16>
        %parallel_loop3A_197 = arith.constant 64 : i32
        %parallel_loop3A_198 = vector.broadcast %parallel_loop3A_197 : i32 to vector<16xi32>
        %parallel_loop3A_199 = arith.muli %parallel_loop3A_192, %parallel_loop3A_198 : vector<16xi32>
        %parallel_loop3A_200 = arith.addi %parallel_loop3A_199, %iota3A : vector<16xi32>
        %parallel_loop3A_201 = arith.constant 0 : i32
        %parallel_loop3A_202 = vector.broadcast %parallel_loop3A_201 : i32 to vector<16xi32>
        %parallel_loop3A_203 = arith.addi %parallel_loop3A_200, %parallel_loop3A_202 : vector<16xi32>
        %parallel_loop3A_204 = tpu.vector_load_idx %arg8[%parallel_loop3A_189, %parallel_loop3A_203] : memref<128x128xf32, #tpu.memory_space<vmem>>[vector<16xi32>, vector<16xi32>], vector<16xf32>,
        %parallel_loop3A_205 = arith.constant 16 : i32
        %parallel_loop3A_206 = vector.broadcast %parallel_loop3A_205 : i32 to vector<16xi32>
        %parallel_loop3A_207 = arith.addi %parallel_loop3A_200, %parallel_loop3A_206 : vector<16xi32>
        %parallel_loop3A_208 = tpu.vector_load_idx %arg8[%parallel_loop3A_189, %parallel_loop3A_207] : memref<128x128xf32, #tpu.memory_space<vmem>>[vector<16xi32>, vector<16xi32>], vector<16xf32>,
        %parallel_loop3A_209 = arith.constant 32 : i32
        %parallel_loop3A_210 = vector.broadcast %parallel_loop3A_209 : i32 to vector<16xi32>
        %parallel_loop3A_211 = arith.addi %parallel_loop3A_200, %parallel_loop3A_210 : vector<16xi32>
        %parallel_loop3A_212 = tpu.vector_load_idx %arg8[%parallel_loop3A_189, %parallel_loop3A_211] : memref<128x128xf32, #tpu.memory_space<vmem>>[vector<16xi32>, vector<16xi32>], vector<16xf32>,
        %parallel_loop3A_213 = arith.constant 48 : i32
        %parallel_loop3A_214 = vector.broadcast %parallel_loop3A_213 : i32 to vector<16xi32>
        %parallel_loop3A_215 = arith.addi %parallel_loop3A_200, %parallel_loop3A_214 : vector<16xi32>
        %parallel_loop3A_216 = tpu.vector_load_idx %arg8[%parallel_loop3A_189, %parallel_loop3A_215] : memref<128x128xf32, #tpu.memory_space<vmem>>[vector<16xi32>, vector<16xi32>], vector<16xf32>,
        %parallel_loop3A_217 = vector.bitcast %parallel_loop3A_204 : vector<16xf32> to vector<32xbf16>
        %parallel_loop3A_218 = arith.mulf %parallel_loop3A_217, %parallel_loop3A_196 : vector<32xbf16>
        %parallel_loop3A_219 = tpu.unpack_subelements %parallel_loop3A_218, 0 {pack_format = #tpu.pack_format<interleaved>} : vector<32xbf16> -> vector<16xf32>
        %parallel_loop3A_220 = tpu.unpack_subelements %parallel_loop3A_218, 1 {pack_format = #tpu.pack_format<interleaved>} : vector<32xbf16> -> vector<16xf32>
        %parallel_loop3A_221 = arith.index_cast %parallel_loop3A_188 : i32 to index
        %parallel_loop3A_222 = arith.constant 0 : index
        %parallel_loop3A_223 = tpu.vector_load %arg8[%parallel_loop3A_221, %parallel_loop3A_222] {strides = array<i32>} : memref<128x128xf32, #tpu.memory_space<vmem>>, vector<16xf32>,
        tpu.vector_store %arg8[%parallel_loop3A_221, %parallel_loop3A_222], %parallel_loop3A_219 {strides = array<i32>} : memref<128x128xf32, #tpu.memory_space<vmem>>, vector<16xf32>,
        %parallel_loop3A_224 = arith.index_cast %parallel_loop3A_188 : i32 to index
        %parallel_loop3A_225 = arith.constant 16 : index
        %parallel_loop3A_226 = tpu.vector_load %arg8[%parallel_loop3A_224, %parallel_loop3A_225] {strides = array<i32>} : memref<128x128xf32, #tpu.memory_space<vmem>>, vector<16xf32>,
        tpu.vector_store %arg8[%parallel_loop3A_224, %parallel_loop3A_225], %parallel_loop3A_220 {strides = array<i32>} : memref<128x128xf32, #tpu.memory_space<vmem>>, vector<16xf32>,
        %parallel_loop3A_227 = vector.bitcast %parallel_loop3A_208 : vector<16xf32> to vector<32xbf16>
        %parallel_loop3A_228 = arith.mulf %parallel_loop3A_227, %parallel_loop3A_196 : vector<32xbf16>
        %parallel_loop3A_229 = tpu.unpack_subelements %parallel_loop3A_228, 0 {pack_format = #tpu.pack_format<interleaved>} : vector<32xbf16> -> vector<16xf32>
        %parallel_loop3A_230 = tpu.unpack_subelements %parallel_loop3A_228, 1 {pack_format = #tpu.pack_format<interleaved>} : vector<32xbf16> -> vector<16xf32>
        %parallel_loop3A_231 = arith.index_cast %parallel_loop3A_188 : i32 to index
        %parallel_loop3A_232 = arith.constant 32 : index
        %parallel_loop3A_233 = tpu.vector_load %arg8[%parallel_loop3A_231, %parallel_loop3A_232] {strides = array<i32>} : memref<128x128xf32, #tpu.memory_space<vmem>>, vector<16xf32>,
        tpu.vector_store %arg8[%parallel_loop3A_231, %parallel_loop3A_232], %parallel_loop3A_229 {strides = array<i32>} : memref<128x128xf32, #tpu.memory_space<vmem>>, vector<16xf32>,
        %parallel_loop3A_234 = arith.index_cast %parallel_loop3A_188 : i32 to index
        %parallel_loop3A_235 = arith.constant 48 : index
        %parallel_loop3A_236 = tpu.vector_load %arg8[%parallel_loop3A_234, %parallel_loop3A_235] {strides = array<i32>} : memref<128x128xf32, #tpu.memory_space<vmem>>, vector<16xf32>,
        tpu.vector_store %arg8[%parallel_loop3A_234, %parallel_loop3A_235], %parallel_loop3A_230 {strides = array<i32>} : memref<128x128xf32, #tpu.memory_space<vmem>>, vector<16xf32>,
        %parallel_loop3A_237 = vector.bitcast %parallel_loop3A_212 : vector<16xf32> to vector<32xbf16>
        %parallel_loop3A_238 = arith.mulf %parallel_loop3A_237, %parallel_loop3A_196 : vector<32xbf16>
        %parallel_loop3A_239 = tpu.unpack_subelements %parallel_loop3A_238, 0 {pack_format = #tpu.pack_format<interleaved>} : vector<32xbf16> -> vector<16xf32>
        %parallel_loop3A_240 = tpu.unpack_subelements %parallel_loop3A_238, 1 {pack_format = #tpu.pack_format<interleaved>} : vector<32xbf16> -> vector<16xf32>
        %parallel_loop3A_241 = arith.index_cast %parallel_loop3A_188 : i32 to index
        %parallel_loop3A_242 = arith.constant 64 : index
        %parallel_loop3A_243 = tpu.vector_load %arg8[%parallel_loop3A_241, %parallel_loop3A_242] {strides = array<i32>} : memref<128x128xf32, #tpu.memory_space<vmem>>, vector<16xf32>,
        tpu.vector_store %arg8[%parallel_loop3A_241, %parallel_loop3A_242], %parallel_loop3A_239 {strides = array<i32>} : memref<128x128xf32, #tpu.memory_space<vmem>>, vector<16xf32>,
        %parallel_loop3A_244 = arith.index_cast %parallel_loop3A_188 : i32 to index
        %parallel_loop3A_245 = arith.constant 80 : index
        %parallel_loop3A_246 = tpu.vector_load %arg8[%parallel_loop3A_244, %parallel_loop3A_245] {strides = array<i32>} : memref<128x128xf32, #tpu.memory_space<vmem>>, vector<16xf32>,
        tpu.vector_store %arg8[%parallel_loop3A_244, %parallel_loop3A_245], %parallel_loop3A_240 {strides = array<i32>} : memref<128x128xf32, #tpu.memory_space<vmem>>, vector<16xf32>,
        %parallel_loop3A_247 = vector.bitcast %parallel_loop3A_216 : vector<16xf32> to vector<32xbf16>
        %parallel_loop3A_248 = arith.mulf %parallel_loop3A_247, %parallel_loop3A_196 : vector<32xbf16>
        %parallel_loop3A_249 = tpu.unpack_subelements %parallel_loop3A_248, 0 {pack_format = #tpu.pack_format<interleaved>} : vector<32xbf16> -> vector<16xf32>
        %parallel_loop3A_250 = tpu.unpack_subelements %parallel_loop3A_248, 1 {pack_format = #tpu.pack_format<interleaved>} : vector<32xbf16> -> vector<16xf32>
        %parallel_loop3A_251 = arith.index_cast %parallel_loop3A_188 : i32 to index
        %parallel_loop3A_252 = arith.constant 96 : index
        %parallel_loop3A_253 = tpu.vector_load %arg8[%parallel_loop3A_251, %parallel_loop3A_252] {strides = array<i32>} : memref<128x128xf32, #tpu.memory_space<vmem>>, vector<16xf32>,
        tpu.vector_store %arg8[%parallel_loop3A_251, %parallel_loop3A_252], %parallel_loop3A_249 {strides = array<i32>} : memref<128x128xf32, #tpu.memory_space<vmem>>, vector<16xf32>,
        %parallel_loop3A_254 = arith.index_cast %parallel_loop3A_188 : i32 to index
        %parallel_loop3A_255 = arith.constant 112 : index
        %parallel_loop3A_256 = tpu.vector_load %arg8[%parallel_loop3A_254, %parallel_loop3A_255] {strides = array<i32>} : memref<128x128xf32, #tpu.memory_space<vmem>>, vector<16xf32>,
        tpu.vector_store %arg8[%parallel_loop3A_254, %parallel_loop3A_255], %parallel_loop3A_250 {strides = array<i32>} : memref<128x128xf32, #tpu.memory_space<vmem>>, vector<16xf32>,
      } {sc.loop_unroll_factor = 8 : i64, sc.parallel_access}
      %dma_start3A_174 = arith.constant 0 : i32
      %dma_start3A_175 = arith.constant 0 : i32
      %dma_start3A_176 = tpu.memref_slice %arg6[%dma_start3A_174, %dma_start3A_175] : memref<4x128xi32, #tpu.memory_space<vmem>> -> memref<1x128xi32, #tpu.memory_space<vmem>>
      %dma_start3A_177 = tpu.memref_squeeze %dma_start3A_176 : memref<1x128xi32, #tpu.memory_space<vmem>> -> memref<128xi32, #tpu.memory_space<vmem>>
      %dma_start3A_178 = arith.constant 0 : i32
      %dma_start3A_179 = arith.constant 0 : i32
      %dma_start3A_180 = tpu.memref_slice %arg10[%dma_start3A_178, %dma_start3A_179] : memref<5008x128xf32, #tpu.memory_space<vmem_shared>> -> memref<5008x128xf32, #tpu.memory_space<vmem_shared>>
      tpu.enqueue_indirect_dma source(%arg8 : memref<128x128xf32, #tpu.memory_space<vmem>>) target(%dma_start3A_180 : memref<5008x128xf32, #tpu.memory_space<vmem_shared>>) offsets(%dma_start3A_177 : memref<128xi32, #tpu.memory_space<vmem>>) semaphore(%arg14 : memref<!tpu.dma_semaphore, #tpu.memory_space<semaphore_mem>>) {add = true}
      %add3A_181 = arith.constant 1 : i32
      %add3A_182 = arith.addi %add3A_105, %add3A_181 : i32
      %lt3A_183 = arith.constant 80 : i32
      %lt3A_184 = arith.cmpi slt, %add3A_182, %lt3A_183 : i32
      %convert_element_type3A_185 = arith.extui %lt3A_184 : i1 to i32
      %cond3A_186 = arith.constant 0 : i32
      %cond3A_187 = arith.cmpi ne, %convert_element_type3A_185, %cond3A_186 : i32
      scf.if %cond3A_187 {
        %add3A_188 = arith.constant 3 : i32
        %add3A_189 = arith.addi %mul3A_107, %add3A_188 : i32
        %dma_start3A_190 = arith.constant 0 : i32
        %dma_start3A_191 = arith.constant 0 : i32
        %dma_start3A_192 = tpu.memref_slice %arg2[%arg0, %arg1, %add3A_189, %dma_start3A_190, %dma_start3A_191] : memref<2x16x160x4x128xi32, #tpu.memory_space<hbm>> -> memref<1x1x1x4x128xi32, #tpu.memory_space<hbm>>
        %dma_start3A_193 = tpu.memref_squeeze %dma_start3A_192 : memref<1x1x1x4x128xi32, #tpu.memory_space<hbm>> -> memref<4x128xi32, #tpu.memory_space<hbm>>
        %dma_start3A_194 = arith.constant 0 : i32
        %dma_start3A_195 = arith.constant 0 : i32
        %dma_start3A_196 = tpu.memref_slice %arg2[%arg0, %arg1, %add3A_189, %dma_start3A_194, %dma_start3A_195] : memref<2x16x160x4x128xi32, #tpu.memory_space<hbm>> -> memref<1x1x1x4x128xi32, #tpu.memory_space<hbm>>
        %dma_start3A_197 = tpu.memref_squeeze %dma_start3A_196 : memref<1x1x1x4x128xi32, #tpu.memory_space<hbm>> -> memref<4x128xi32, #tpu.memory_space<hbm>>
        tpu.enqueue_dma source(%dma_start3A_197 : memref<4x128xi32, #tpu.memory_space<hbm>>) target(%arg6 : memref<4x128xi32, #tpu.memory_space<vmem>>) target_semaphore(%arg16 : memref<!tpu.dma_semaphore, #tpu.memory_space<semaphore_mem>>)
      } else {
      }
    }
    %scan3A_75 = arith.constant 80 : i32
    %dma_wait3A_76 = arith.constant 0 : i32
    %dma_wait3A_77 = arith.constant 0 : i32
    %dma_wait3A_78 = tpu.memref_slice %arg6[%dma_wait3A_76, %dma_wait3A_77] : memref<4x128xi32, #tpu.memory_space<vmem>> -> memref<1x128xi32, #tpu.memory_space<vmem>>
    %dma_wait3A_79 = tpu.memref_squeeze %dma_wait3A_78 : memref<1x128xi32, #tpu.memory_space<vmem>> -> memref<128xi32, #tpu.memory_space<vmem>>
    %dma_wait3A_80 = arith.constant 0 : i32
    %dma_wait3A_81 = arith.constant 0 : i32
    %dma_wait3A_82 = tpu.memref_slice %arg10[%dma_wait3A_80, %dma_wait3A_81] : memref<5008x128xf32, #tpu.memory_space<vmem_shared>> -> memref<5008x128xf32, #tpu.memory_space<vmem_shared>>
    tpu.wait_indirect_dma semaphore(%arg14 : memref<!tpu.dma_semaphore, #tpu.memory_space<semaphore_mem>>) src(%arg8 : memref<128x128xf32, #tpu.memory_space<vmem>>) dst(%dma_wait3A_82 : memref<5008x128xf32, #tpu.memory_space<vmem_shared>>)
    %barrier3A_83 = arith.constant 0 : index
    tpu.barrier barrier_id(%barrier3A_83)
    %sub3A_84 = arith.constant 125 : i32
    %sub3A_85 = arith.subi %sub3A_84, %arg1 : i32
    %sub3A_86 = arith.constant 16 : i32
    %sub3A_87 = arith.constant 1 : i32
    %sub3A_88 = arith.subi %sub3A_86, %sub3A_87 : i32
    %add3A_89 = arith.addi %sub3A_85, %sub3A_88 : i32
    %div3A_90 = arith.constant 16 : i32
    %div3A_91 = arith.divsi %add3A_89, %div3A_90 : i32
    %while3A_92 = arith.constant 16 : i32
    %while3A_93 = arith.constant 0 : i32
    %while3A_94 = arith.subi %div3A_91, %while3A_93 : i32
    %while3A_95 = arith.addi %while3A_93, %while3A_94 : i32
    %while3A_96 = arith.constant 1 : i32
    %while3A_97 = arith.divsi %while3A_94, %while3A_96 : i32
    %while3A_98 = arith.muli %while3A_97, %while3A_96 : i32
    %while3A_99 = arith.addi %while3A_93, %while3A_98 : i32
    %while3A_100 = arith.constant 1 : i32
    scf.for %while3A_102 = %while3A_93 to %while3A_99 step %while3A_100  : i32 {
      %mul3A = arith.muli %while3A_102, %while3A_92 : i32
      %add3A_103 = arith.addi %arg1, %mul3A : i32
      %mul3A_104 = arith.constant 40 : i32
      %mul3A_105 = arith.muli %add3A_103, %mul3A_104 : i32
      %mul3A_106 = arith.constant 40 : i32
      %mul3A_107 = arith.muli %add3A_103, %mul3A_106 : i32
      "tpu.region"() ({
        %run_scoped3A = tpu.sem_alloc : memref<!tpu.dma_semaphore, #tpu.memory_space<semaphore_mem>>
        %dma_start3A_108 = arith.constant 0 : i32
        %dma_start3A_109 = tpu.memref_slice %arg4[%arg0, %mul3A_107, %dma_start3A_108] : memref<2x5000x128xf32, #tpu.memory_space<hbm>> -> memref<1x40x128xf32, #tpu.memory_space<hbm>>
        %dma_start3A_110 = tpu.memref_squeeze %dma_start3A_109 : memref<1x40x128xf32, #tpu.memory_space<hbm>> -> memref<40x128xf32, #tpu.memory_space<hbm>>
        %dma_start3A_111 = arith.constant 0 : i32
        %dma_start3A_112 = tpu.memref_slice %arg10[%mul3A_105, %dma_start3A_111] : memref<5008x128xf32, #tpu.memory_space<vmem_shared>> -> memref<40x128xf32, #tpu.memory_space<vmem_shared>>
        tpu.enqueue_dma source(%dma_start3A_112 : memref<40x128xf32, #tpu.memory_space<vmem_shared>>) target(%dma_start3A_110 : memref<40x128xf32, #tpu.memory_space<hbm>>) target_semaphore(%run_scoped3A : memref<!tpu.dma_semaphore, #tpu.memory_space<semaphore_mem>>)
        %dma_wait3A_113 = arith.constant 0 : i32
        %dma_wait3A_114 = tpu.memref_slice %arg4[%arg0, %mul3A_107, %dma_wait3A_113] : memref<2x5000x128xf32, #tpu.memory_space<hbm>> -> memref<1x40x128xf32, #tpu.memory_space<hbm>>
        %dma_wait3A_115 = tpu.memref_squeeze %dma_wait3A_114 : memref<1x40x128xf32, #tpu.memory_space<hbm>> -> memref<40x128xf32, #tpu.memory_space<hbm>>
        %dma_wait3A_116 = arith.constant 0 : i32
        %dma_wait3A_117 = tpu.memref_slice %arg10[%mul3A_105, %dma_wait3A_116] : memref<5008x128xf32, #tpu.memory_space<vmem_shared>> -> memref<40x128xf32, #tpu.memory_space<vmem_shared>>
        tpu.wait_dma2 semaphore(%run_scoped3A : memref<!tpu.dma_semaphore, #tpu.memory_space<semaphore_mem>>) src(%dma_wait3A_117 : memref<40x128xf32, #tpu.memory_space<vmem_shared>>) dst(%dma_wait3A_115 : memref<40x128xf32, #tpu.memory_space<hbm>>)
        tpu.yield
      }) : () -> ()
    }
    %while3A_101 = arith.constant 1 : i32
    scf.for %while3A_102 = %while3A_99 to %while3A_95 step %while3A_101  : i32 {
      %mul3A = arith.muli %while3A_102, %while3A_92 : i32
      %add3A_103 = arith.addi %arg1, %mul3A : i32
      %mul3A_104 = arith.constant 40 : i32
      %mul3A_105 = arith.muli %add3A_103, %mul3A_104 : i32
      %mul3A_106 = arith.constant 40 : i32
      %mul3A_107 = arith.muli %add3A_103, %mul3A_106 : i32
      "tpu.region"() ({
        %run_scoped3A = tpu.sem_alloc : memref<!tpu.dma_semaphore, #tpu.memory_space<semaphore_mem>>
        %dma_start3A_108 = arith.constant 0 : i32
        %dma_start3A_109 = tpu.memref_slice %arg4[%arg0, %mul3A_107, %dma_start3A_108] : memref<2x5000x128xf32, #tpu.memory_space<hbm>> -> memref<1x40x128xf32, #tpu.memory_space<hbm>>
        %dma_start3A_110 = tpu.memref_squeeze %dma_start3A_109 : memref<1x40x128xf32, #tpu.memory_space<hbm>> -> memref<40x128xf32, #tpu.memory_space<hbm>>
        %dma_start3A_111 = arith.constant 0 : i32
        %dma_start3A_112 = tpu.memref_slice %arg10[%mul3A_105, %dma_start3A_111] : memref<5008x128xf32, #tpu.memory_space<vmem_shared>> -> memref<40x128xf32, #tpu.memory_space<vmem_shared>>
        tpu.enqueue_dma source(%dma_start3A_112 : memref<40x128xf32, #tpu.memory_space<vmem_shared>>) target(%dma_start3A_110 : memref<40x128xf32, #tpu.memory_space<hbm>>) target_semaphore(%run_scoped3A : memref<!tpu.dma_semaphore, #tpu.memory_space<semaphore_mem>>)
        %dma_wait3A_113 = arith.constant 0 : i32
        %dma_wait3A_114 = tpu.memref_slice %arg4[%arg0, %mul3A_107, %dma_wait3A_113] : memref<2x5000x128xf32, #tpu.memory_space<hbm>> -> memref<1x40x128xf32, #tpu.memory_space<hbm>>
        %dma_wait3A_115 = tpu.memref_squeeze %dma_wait3A_114 : memref<1x40x128xf32, #tpu.memory_space<hbm>> -> memref<40x128xf32, #tpu.memory_space<hbm>>
        %dma_wait3A_116 = arith.constant 0 : i32
        %dma_wait3A_117 = tpu.memref_slice %arg10[%mul3A_105, %dma_wait3A_116] : memref<5008x128xf32, #tpu.memory_space<vmem_shared>> -> memref<40x128xf32, #tpu.memory_space<vmem_shared>>
        tpu.wait_dma2 semaphore(%run_scoped3A : memref<!tpu.dma_semaphore, #tpu.memory_space<semaphore_mem>>) src(%dma_wait3A_117 : memref<40x128xf32, #tpu.memory_space<vmem_shared>>) dst(%dma_wait3A_115 : memref<40x128xf32, #tpu.memory_space<hbm>>)
        tpu.yield
      }) : () -> ()
    }
    return
  }
}

module attributes {stable_mosaic.version = 14 : i64} {
  func.func @_assemble_body(%arg0: i32, %arg1: memref<1x5000x128xf32, #tpu.memory_space<vmem>>, %arg2: memref<5000x128xf32, #tpu.memory_space<vmem>>) attributes {dimension_semantics = [#tpu.dimension_semantics<arbitrary>], iteration_bounds = array<i64: 2>, scalar_prefetch = 0 : i64, scratch_operands = 0 : i64, tpu.core_type = #tpu.core_type<tc>, window_params = [{transform_indices = @transform_0, window_bounds = array<i64: 1, 5000, 128>}, {transform_indices = @transform_1, window_bounds = array<i64: 5000, 128>}]} {
    %get3A = arith.constant 0 : index
    %get3A_0 = arith.constant 0 : index
    %get3A_1 = arith.constant 0 : index
    %get3A_2 = vector.load %arg1[%get3A, %get3A_0, %get3A_1] : memref<1x5000x128xf32, #tpu.memory_space<vmem>>, vector<1x5000x128xf32>
    %get3A_3 = vector.shape_cast %get3A_2 : vector<1x5000x128xf32> to vector<5000x128xf32>
    %swap3A = arith.constant 0 : index
    %swap3A_4 = arith.constant 0 : index
    %swap3A_5 = vector.load %arg2[%swap3A, %swap3A_4] : memref<5000x128xf32, #tpu.memory_space<vmem>>, vector<5000x128xf32>
    tpu.vector_store %arg2[%swap3A, %swap3A_4], %get3A_3 {strides = array<i32>} : memref<5000x128xf32, #tpu.memory_space<vmem>>, vector<5000x128xf32>,
    return
  }
  func.func @transform_0(%arg0: i32) -> (i32, i32, i32) {
    %c0_i32 = arith.constant 0 : i32
    %c0_i32_0 = arith.constant 0 : i32
    %c0_i32_1 = arith.constant 0 : i32
    return %arg0, %c0_i32, %c0_i32_0 : i32, i32, i32
  }
  func.func @transform_1(%arg0: i32) -> (i32, i32) {
    %c0_i32 = arith.constant 0 : i32
    %c0_i32_0 = arith.constant 0 : i32
    return %arg0, %c0_i32 : i32, i32
  }
}

</mosaic_0001>

<sc_bundles>
// kernel: kernel.4.cloned.1.call-start
scs
__scs_entry_jumppad:
0x0: {  	(pc) =	sbr.rel $0x88, $3  }
0x1: {  	(tag) =	ssettag $0x0;
	lr =	simm.s32 $0x1  }
0x2: {  	[smem:$0x3F9E] =	sst lr;
	_ =	strace $0xD0000000  }
0x3: {  	_ = 	snop  }
0x4: {  	_ = 	snop  }
0x5: {  	_ = 	snop  }
0x6: {  	_ = 	snop  }
0x7: {  	_ = 	snop  }
__scs_overlays_trampoline_lowered:
0x8: {  	[smem:$0x3FAD] =	sst s0  }
0x9: {  	[smem:$0x3FAE] =	sst s1  }
0xa: {  	[smem:$0x3FAF] =	sst s2  }
0xb: {  	[smem:$0x3FB0] =	sst s3  }
0xc: {  	[smem:$0x3FB1] =	sst s4  }
0xd: {  	[smem:$0x3FB2] =	sst s5  }
0xe: {  	[smem:$0x3FB3] =	sst s6  }
0xf: {  	[smem:$0x3FB4] =	sst s7  }
0x10: {  	[smem:$0x3FB5] =	sst s8  }
0x11: {  	[smem:$0x3FB6] =	sst s9;
	s0 =	simm.s32 @!p0 $0x0  }
0x12: {  	s1 =	sld [smem:$0x3F9C];
	s0 =	simm.s32 @p0 $0x1  }
0x13: {  	[smem:$0x3FB7] =	sst s0;
	s0 =	simm.s32 @!p1 $0x0  }
0x14: {  	s2 =	sld [smem:$0x3F9B];
	s0 =	simm.s32 @p1 $0x1  }
0x15: {  	[smem:$0x3FB8] =	sst s0;
	s0 =	simm.s32 @!p2 $0x0  }
0x16: {  	s3 =	sld [smem:$0x3FDB];
	s0 =	simm.s32 @p2 $0x1  }
0x17: {  	s4 =	simm.s32 $0x1BF5;
	[smem:$0x3FBA] =	sst s0  }
0x18: {  	s0 =	sld [smem:$0x3F9D];
	_ =	swait.ge [sflag:s4], $0x0  }
0x19: {  	s7 =	sld [smem:$0x3F9E]  }
0x1a: {  	s8 =	sadd.s32 $0xFFFFE003, lr  }
0x1b: {  	s9 =	sadd.s32 $0xFFFFFEF7, lr;
	s5 =	simm.s32 $0xFFFFFFFF;
	p2 =	slt.u32 s8, $0xFFFFF086  }
0x1c: {  	p1 =	slt.u32 s9, $0xF7A;
	s5 =	simm.s32 @!p2 $0x0  }
0x1d: {  	s5 =	simm.s32 @p1 $0x1;
	p0 =	seq.s32 s7, s2  }
0x1e: {  	s7 =	smul.u32 @!p0 $0xF7A, s2;
	p2 =	seq.s32 @!p0 s5, $0x0  }
0x1f: {  	s9 =	smul.u32 $0xF7A, s1;
	s8 =	simm.s32 @!p0 $0x1BF5;
	p2 =	por !p2, p0  }
0x20: {  	[sflag:s8] =	ssyncset.s32 @!p0 $0xFFFFF086;
	s6 =	sadd.s32 @!p0 s3, s7;
	s7 =	simm.s32 @!p0 $0x108  }
0x21: {  	s3 =	sadd.s32 s3, s9;
	s6 =	sadd.s32 @!p0 $0x88, s6;
	s7 =	simm.s32 @p2 $0x1082  }
0x22: {  	[simem:s7], [sflag:s8] =	dma.local @!p0 [hbm:s6], $0xF7A  }
0x23: {  	s9 =	sor.u32 $0xD0000000, s2;
	s6 =	simm.s32 $0x108;
	_ =	swait.ge @!p0 [sflag:s8], $0x0  }
0x24: {  	s3 =	sadd.s32 $0x88, s3;
	s6 =	simm.s32 @!p1 $0x1082;
	[sflag:s4] =	ssyncset.s32 $0xFFFFF086  }
0x25: {  	[simem:s6], [sflag:s4] =	dma.local [hbm:s3], $0xF7A  }
0x26: {  	[smem:$0x3F9E] =	sst s1;
	(tag) =	ssettag s2;
	_ =	strace s9  }
0x27: {  	s1 =	sld [smem:$0x3FAE]  }
0x28: {  	s2 =	sld [smem:$0x3FAF]  }
0x29: {  	s4 =	sld [smem:$0x3FB1]  }
0x2a: {  	p0 =	seq.s32 s5, $0x0;
	s5 =	sld [smem:$0x3FB2]  }
0x2b: {  	s6 =	sld [smem:$0x3FB3]  }
0x2c: {  	s7 =	sld [smem:$0x3FB4]  }
0x2d: {  	s3 =	simm.s32 $0x108;
	s8 =	sld [smem:$0x3FB5]  }
0x2e: {  	s3 =	simm.s32 @!p0 $0x1082;
	s9 =	sld [smem:$0x3FB6]  }
0x2f: {  	lr =	sadd.s32 s0, s3;
	s0 =	sld [smem:$0x3FAD]  }
0x30: {  	s3 =	sld [smem:$0x3FB0]  }
0x31: {  	[smem:$0x3FB9] =	sst s10  }
0x32: {  	s10 =	sld [smem:$0x3FB7];
	_ =	sdelay $0x3  }
0x33: {  	p0 =	seq.s32 s10, $0x1;
	s10 =	sld [smem:$0x3FB9];
	_ =	sdelay $0x3  }
0x34: {  	[smem:$0x3FB9] =	sst s10  }
0x35: {  	s10 =	sld [smem:$0x3FB8];
	_ =	sdelay $0x3  }
0x36: {  	p1 =	seq.s32 s10, $0x1;
	s10 =	sld [smem:$0x3FB9];
	_ =	sdelay $0x3  }
0x37: {  	[smem:$0x3FB9] =	sst s10  }
0x38: {  	s10 =	sld [smem:$0x3FBA]  }
0x39: {  	_ = 	snop;
	(pc) =	sbr.ind lr, $3  }
0x3a: {  	_ = 	snop  }
0x3b: {  	_ = 	snop  }
0x3c: {  	p2 =	seq.s32 s10, $0x1;
	s10 =	sld [smem:$0x3FB9]  }
0x3d: {  	_ =	shalt  }
0x3e: {  	_ =	shalt  }
0x3f: {  	_ =	shalt  }
0x40: {  	_ =	shalt  }
0x41: {  	_ =	shalt  }
0x42: {  	_ =	shalt  }
0x43: {  	_ =	shalt  }
0x44: {  	_ =	shalt  }
0x45: {  	_ =	shalt  }
0x46: {  	_ =	shalt  }
0x47: {  	_ =	shalt  }
0x48: {  	_ =	shalt  }
0x49: {  	_ =	shalt  }
0x4a: {  	_ =	shalt  }
0x4b: {  	_ =	shalt  }
0x4c: {  	_ =	shalt  }
0x4d: {  	_ =	shalt  }
0x4e: {  	_ =	shalt  }
0x4f: {  	_ =	shalt  }
0x50: {  	_ =	shalt  }
0x51: {  	_ =	shalt  }
0x52: {  	_ =	shalt  }
0x53: {  	_ =	shalt  }
0x54: {  	_ =	shalt  }
0x55: {  	_ =	shalt  }
0x56: {  	_ =	shalt  }
0x57: {  	_ =	shalt  }
0x58: {  	_ =	shalt  }
0x59: {  	_ =	shalt  }
0x5a: {  	_ =	shalt  }
0x5b: {  	_ =	shalt  }
0x5c: {  	_ =	shalt  }
0x5d: {  	_ =	shalt  }
0x5e: {  	_ =	shalt  }
0x5f: {  	_ =	shalt  }
0x60: {  	_ =	shalt  }
0x61: {  	_ =	shalt  }
0x62: {  	_ =	shalt  }
0x63: {  	_ =	shalt  }
0x64: {  	_ =	shalt  }
0x65: {  	_ =	shalt  }
0x66: {  	_ =	shalt  }
0x67: {  	_ =	shalt  }
0x68: {  	_ =	shalt  }
0x69: {  	_ =	shalt  }
0x6a: {  	_ =	shalt  }
0x6b: {  	_ =	shalt  }
0x6c: {  	_ =	shalt  }
0x6d: {  	_ =	shalt  }
0x6e: {  	_ =	shalt  }
0x6f: {  	_ =	shalt  }
0x70: {  	_ =	shalt  }
0x71: {  	_ =	shalt  }
0x72: {  	_ =	shalt  }
0x73: {  	_ =	shalt  }
0x74: {  	_ =	shalt  }
0x75: {  	_ =	shalt  }
0x76: {  	_ =	shalt  }
0x77: {  	_ =	shalt  }
0x78: {  	_ =	shalt  }
0x79: {  	_ =	shalt  }
0x7a: {  	_ =	shalt  }
0x7b: {  	_ =	shalt  }
0x7c: {  	_ =	shalt  }
0x7d: {  	_ =	shalt  }
0x7e: {  	_ =	shalt  }
0x7f: {  	_ =	shalt  }
0x80: {  	_ =	shalt  }
0x81: {  	_ =	shalt  }
0x82: {  	_ =	shalt  }
0x83: {  	_ =	shalt  }
0x84: {  	_ =	shalt  }
0x85: {  	_ =	shalt  }
0x86: {  	_ =	shalt  }
0x87: {  	_ =	shalt  }
.Lfunc_end0:
.L_simem_size_0:
called_computation_lowered:
.L_overlay_start_0:
0x88: {  	s2 =	sld [smem:$0x3FD9]  }
0x89: {  	s3 =	sld [smem:$0x3FFE];
	_ =	sdelay $0x1  }
0x8a: {  	s1 =	srdreg.scid  }
0x8b: {  	s0 =	sand.u32 $0x1, s1  }
0x8c: {  	s17 =	sshll.u32 s0, $0xA;
	s2 =	sadd.s32 s3, s2  }
0x8d: {  	s2 =	sadd.s32 s2, s17  }
0x8e: {  	[smem:$0x3FC5] =	sst s2  }
0x8f: {  	_ = 	snop  }
0x90: {  	s2 =	sld [smem:$0x3FD0];
	(tm) =	ssettm $0x1  }
0x91: {  	s18 =	sld [smem:$0x3FFB];
	_ =	sdelay $0x3  }
0x92: {  	_ =	strace s18  }
0x93: {  	s3 =	sld [smem:$0x3FFC];
	_ =	sdelay $0x3  }
0x94: {  	_ =	strace s3  }
0x95: {  	s3 =	sld [smem:$0x3FFD];
	_ =	sdelay $0x3  }
0x96: {  	_ =	strace s3  }
0x97: {  	_ =	strace $0x8FFFFFFF  }
0x98: {  	s19 =	sld [smem:$0x3FDB];
	_ =	sdelay $0x1  }
0x99: {  	s4 =	simm.s32 $_scs_section_size  }
0x9a: {  	s5 =	simm.s32 $_size__tile_overlayer_lowered;
	s6 =	simm.s32 $_tile_overlayer_lowered  }
0x9b: {  	s22 =	simm.s32 $0x1BFF;
	s21 =	sshll.u32 s6, $0x1;
	s3 =	sadd.s32 s4, s19  }
0x9c: {  	s7 =	simm.s32 $0x0;
	s20 =	sshll.u32 s5, $0x1;
	s5 =	sadd.s32 s21, s3  }
0x9d: {  	[timem:s7], [sflag:s22] =	dma.local [hbm:s5], s20  }
0x9e: {  	_ =	swait.ge [sflag:s22], s20  }
0x9f: {  	s4 =	ssub.s32 $0x0, s20;
	[sflag:s22] =	ssyncset.done $0x0  }
0xa0: {  	[sflag:s22] =	ssyncadd.s32 s4;
	_ =	sdelay $0x1  }
0xa1: {  	s23 =	simm.s32 $0x1B8B  }
0xa2: {  	_ =	swait.ge [sflag:s23], $0x1  }
0xa3: {  	[sflag:s23] =	ssyncset.done $0x0  }
0xa4: {  	s25 =	simm.s32 $0x1B8E;
	s24 =	sld [smem:$0x3FFE];
	[sflag:s23] =	ssyncadd.s32 $0xFFFFFFFF  }
0xa5: {  	s26 =	simm.s32 $execute0_lowered;
	[smem:$0x3FD2] =	sst s25  }
0xa6: {  	s5 =	sshll.u32 s26, $0x1;
	_ =	strace $0x80000046;
	[dreg:$0x1] =	wrdreg $0xFFFFFFFF  }
0xa7: {  	s28 =	simm.s32 $_size_execute0_lowered;
	s3 =	sadd.s32 s3, s5;
	[dreg:$0x0] =	wrdreg $0x0  }
0xa8: {  	s5 =	sshll.u32 s28, $0x1;
	[dreg:$0x2] =	wrdreg s3  }
0xa9: {  	[dreg:$0x3] =	wrdreg s5  }
0xaa: {  	[dreg:$0x4] =	wrdreg $0xC0  }
0xab: {  	_ =	task [dreg:s7], $0x5FFFF  }
0xac: {  	[dreg:$0x1] =	wrdreg $0xFFFFFFFF  }
0xad: {  	[dreg:$0x0] =	wrdreg $0x60  }
0xae: {  	[dreg:$0x2] =	wrdreg s24  }
0xaf: {  	[dreg:$0x3] =	wrdreg s2  }
0xb0: {  	[dreg:$0x4] =	wrdreg $0x84000  }
0xb1: {  	[dreg:$0x5] =	wrdreg $0x120400  }
0xb2: {  	[dreg:$0x6] =	wrdreg $0x9  }
0xb3: {  	_ =	task.clear_ibuf [dreg:s7], $0x7FFFF;
	_ =	strace $0x90000046  }
0xb4: {  	s29 =	simm.s32 $0x9;
	_ =	strace $0x80000048  }
0xb5: {  	_ =	swait.ge [sflag:s29], $0x1  }
0xb6: {  	[sflag:s29] =	ssyncadd.s32 $0xFFFFFFFF  }
0xb7: {  	_ =	strace $0x90000048  }
0xb8: {  	_ =	sfence  }
0xb9: {  	s30 =	sld [smem:$0x0];
	_ =	sdelay $0x2  }
0xba: {  	s31 =	sshll.u32 s1, $0xD;
	s1 =	sshrl.u32 s1, $0x2  }
0xbb: {  	s3 =	sand.u32 $0x4000, s31;
	s1 =	sadd.s32 s1, s30  }
0xbc: {  	s0 =	sor.u32 s3, s0;
	s1 =	sshll.u32 s1, $0x11  }
0xbd: {  	s0 =	sor.u32 s1, s0  }
0xbe: {  	s0 =	sadd.s32 $0x8F2B, s0  }
0xbf: {  	[sflag:s0] =	ssyncadd.remote.s32 $0x1  }
0xc0: {  	_ =	sfence.sel $0xFFFF  }
0xc1: {  	[dreg:$0x0] =	wrdreg $0xFFFFFFFF;
	(pc) =	sbr.abs _section_cstart, $3  }
0xc2: {  	[dreg:$0x1] =	wrdreg $0xFFFFFFFF  }
0xc3: {  	_ =	task.clear_ibuf [dreg:s7], $0x2FFFF;
	_ =	strace $0x9FFFFFFF  }
0xc4: {  	(tm) =	ssettm $0x7FFFFFFF  }
0xc5: {  	_ =	shalt  }
tec
execute0_lowered:
.L_overlay_start_1:
0x0: {  	(tag) =	ssettag $0x1  }
0x1: {  	s0 =	rddreg [dreg:$0x0]  }
0x2: {  	s5 =	rddreg [dreg:$0x1]  }
0x3: {  	s1 =	rddreg [dreg:$0x2]  }
0x4: {  	s2 =	rddreg [dreg:$0x3];
	s3 =	simm.s32 $0x0  }
0x5: {  	s9 =	stileid.u32;
	s4 =	srdreg.scid;
	s28 =	simm.s32 $0x280  }
0x6: {  	s29 =	simm.s32 $0x4400;
	s30 =	simm.s32 $0x4;
	s31 =	simm.s32 $0x0  }
0x7: {  	[smem:$0x7FF] =	sst s3;
	s6 =	smul.u32 $0xC80, s9;
	s10 =	sand.u32 $0x1, s4  }
0x8: {  	s4 =	sadd.s32 $0x14600, s0;
	s11 =	smul.u32 $0x14000, s9;
	s12 =	ssub.s32 $0x28, s9  }
0x9: {  	s17 =	ssub.s32 $0x36, s9;
	s18 =	sshll.u32 s9, $0xE;
	s20 =	sadd.s32 $0x9C000, s2  }
0xa: {  	s13 =	ssub.s32 $0x8C, s9;
	s23 =	smul.u32 $0x5000, s9;
	s26 =	sshll.u32 s9, $0x6  }
0xb: {  	p0 =	sne.s32 s9, $0x0;
	_ =	strace $0x80000047;
	s7 =	smul.u32 $0x140000, s10  }
0xc: {  	s8 =	ssub.s32 $0x2, s10;
	s15 =	sshrl.u32 s12, $0x4;
	[dreg:$0x6] =	wrdreg s20  }
0xd: {  	s10 =	smul.u32 $0x9C400, s10;
	s13 =	sshrl.u32 s13, $0x4;
	s20 =	simm.s32 $0x7  }
0xe: {  	s0 =	sadd.s32 s6, s0;
	[dreg:$0x5] =	wrdreg s15;
	s15 =	smul.u32 $0x19000, s9  }
0xf: {  	s14 =	sshrl.u32 s8, $0x1;
	s6 =	sshrl.u32 s17, $0x4;
	s17 =	smul.u32 $0x1400, s9  }
0x10: {  	s25 =	sshrl.u32 s23, $0x2;
	s23 =	simm.s32 $0x5;
	s14 =	ssub.s32 s8, s14  }
0x11: {  	s16 =	sadd.s32 s11, s7;
	s7 =	sadd.s32 s18, s2;
	s0 =	sadd.s32 $0xC00, s0  }
0x12: {  	s18 =	sadd.s32 s25, s2;
	s25 =	simm.s32 $0x1;
	s19 =	sshrl.u32 s16, $0x3  }
0x13: {  	s11 =	sor.u32 $0x400, s16;
	s12 =	sor.u32 $0x600, s16;
	s14 =	smax.u32 s14, $0x1  }
0x14: {  	s22 =	sshrl.u32 s15, $0x2;
	[dreg:$0x9] =	wrdreg s0;
	s24 =	sadd.s32 s17, s10  }
0x15: {  	s8 =	sadd.s32 s4, s19;
	[dreg:$0x8] =	wrdreg s14;
	s16 =	sadd.s32 s22, s1  }
0x16: {  	s0 =	sshrl.u32 s24, $0x3;
	s19 =	sor.u32 $0x1C07, s26;
	s22 =	simm.s32 $0x200  }
0x17: {  	v0 =	vimm.f32 $0.0e+00;
	v1 =	vlaneseq.u32;
	s24 =	simm.s32 $0x80;
	s26 =	simm.s32 $0x6;
	s21 =	sadd.s32 $0x40, s8  }
0x18: {  	v2 =	vor.u32 $0x10, v1;
	v3 =	vor.u32 $0x20, v1;
	v4 =	vor.u32 $0x30, v1;
	s17 =	sadd.s32 s0, s5;
	[dreg:$0x7] =	wrdreg s21;
	s21 =	simm.s32 $0x400  }
.LBB2_1:
0x19: {  	s5 =	rddreg [dreg:$0x9]  }
0x1a: {  	s0 =	smov.u32 s16;
	s9 =	rddreg [dreg:$0x5]  }
.LBB2_2:
0x1b: {  	p1 =	sne.s32 s9, $0x1  }
.Ltmp0:
0x1c: {  	s10 =	sshrl.u32 s0, $0x3;
	(pc) =	sbr.rel @p1 .LBB2_2-.Ltmp0, $4  }
0x1d: {  	[spmem:s10], [sflag:s19] =	dma.local [hbm:s5], $0xC80  }
0x1e: {  	_ =	swait.ge [sflag:s20], $0xC80  }
0x1f: {  	s0 =	sadd.s32 $0x64000, s0;
	[sflag:s20] =	ssyncset.done $0x0  }
0x20: {  	s9 =	sadd.s32 $0xFFFFFFFF, s9;
	s5 =	sadd.s32 $0xC800, s5;
	[sflag:s20] =	ssyncadd.s32 $0xFFFFF380  }
0x21: {  	s0 =	simm.s32 $0x0;
	s5 =	simm.s32 $0x200  }
.LBB2_4:
0x22: {  	p1 =	sne.s32 s5, $0xFE00;
	[tilespmem:s0+$0x470] =	vst v0  }
0x23: {  	[tilespmem:s0+$0x400] =	vst v0  }
0x24: {  	[tilespmem:s0+$0x410] =	vst v0  }
.Ltmp1:
0x25: {  	[tilespmem:s0+$0x420] =	vst v0;
	(pc) =	sbr.rel @p1 .LBB2_4-.Ltmp1, $4  }
0x26: {  	[tilespmem:s0+$0x430] =	vst v0  }
0x27: {  	[tilespmem:s0+$0x440] =	vst v0  }
0x28: {  	[tilespmem:s0+$0x450] =	vst v0  }
0x29: {  	[tilespmem:s0+$0x460] =	vst v0;
	s0 =	sshra.s32 s5, $0x2;
	s5 =	sadd.s32 $0x200, s5  }
0x2a: {  	[tilespmem:s0+$0x470] =	vst v0  }
0x2b: {  	[tilespmem:s0+$0x400] =	vst v0  }
0x2c: {  	[tilespmem:s0+$0x410] =	vst v0  }
0x2d: {  	[tilespmem:s0+$0x420] =	vst v0  }
0x2e: {  	[tilespmem:s0+$0x430] =	vst v0  }
0x2f: {  	[tilespmem:s0+$0x440] =	vst v0;
	p1 =	sne.s32 s6, $0x1  }
.Ltmp2:
0x30: {  	[tilespmem:s0+$0x450] =	vst v0;
	(pc) =	sbr.rel @!p1 .LBB2_7-.Ltmp2, $4  }
0x31: {  	[tilespmem:s0+$0x460] =	vst v0  }
0x32: {  	[spmem:s7] =	stream.linear.scatter [tilespmem:s21], [sflag:$0x7], $0x4000, $0x38;
	[tilespmem:$0x1BCC0] =	vst v63  }
0x33: {  	_ =	swait.ge [sflag:s20], $0x4000  }
0x34: {  	s0 =	sadd.s32 $0xFFFFFFFF, s6;
	s5 =	smov.u32 s7;
	[sflag:s20] =	ssyncset.done $0x0  }
.LBB2_6:
0x35: {  	p1 =	sne.s32 s0, $0x1;
	[sflag:s20] =	ssyncadd.s32 $0xFFFFC000;
	s5 =	sadd.s32 $0x40000, s5  }
.Ltmp3:
0x36: {  	s0 =	sadd.s32 $0xFFFFFFFF, s0;
	(pc) =	sbr.rel @p1 .LBB2_6-.Ltmp3, $4  }
0x37: {  	_ = 	snop  }
0x38: {  	[spmem:s5] =	stream.linear.scatter [tilespmem:s21], [sflag:$0x7], $0x4000, $0x38;
	[tilespmem:$0x1BCC0] =	vst v63  }
0x39: {  	_ =	swait.ge [sflag:s20], $0x4000  }
0x3a: {  	[sflag:s20] =	ssyncset.done $0x0  }
.LBB2_7:
0x3b: {  	[sflag:s20] =	ssyncadd.s32 $0xFFFFC000;
	s0 =	simm.s32 @!p0 $0x400;
	s5 =	rddreg [dreg:$0x6]  }
0x3c: {  	[spmem:s5] =	stream.linear.scatter @!p0 [tilespmem:s0], [sflag:$0x7], $0x800, $0x38;
	[tilespmem:$0x1BCC0] =	vst v63  }
0x3d: {  	s0 =	simm.s32 @!p0 $0x7  }
0x3e: {  	_ =	swait.ge @!p0 [sflag:s0], $0x800  }
0x3f: {  	[sflag:s0] =	ssyncset.done @!p0 $0x0  }
0x40: {  	[sflag:s0] =	ssyncadd.s32 @!p0 $0xFFFFF800  }
0x41: {  	s0 =	simm.s32 $0x0;
	[bflag:$0x0] =	sbarrier.arrive $0xFFFF  }
0x42: {  	[tilespmem:s0], [sflag:$0x5] =	stream.linear.gather [hbm4b:s8+s0], $0x200, $0x38;
	[tilespmem:$0x1BCC0] =	vst v63  }
0x43: {  	s15 =	rddreg [dreg:$0x7]  }
0x44: {  	[tilespmem:s22], [sflag:$0x6] =	stream.linear.gather [hbm4b:s15+s0], $0x200, $0x38;
	[tilespmem:$0x1BCC0] =	vst v63  }
0x45: {  	_ =	swait.ge [sflag:s23], $0x200  }
0x46: {  	[sflag:s23] =	ssyncset.done $0x0  }
0x47: {  	s10 =	simm.s32 $0x0;
	[sflag:s23] =	ssyncadd.s32 $0xFFFFFE00  }
0x48: {  	[tilespmem:s21], [sflag:$0x1] =	stream.indirect.gather [spmem:s1], $0x80, s24, s24, $0xb8;
	[tilespmem:$0x1BCC0] =	vst v63  }
.LBB2_8:
0x49: {  	_ =	swait.ge [sflag:s25], $0x4000  }
0x4a: {  	p1 =	seq.s32 s10, $0x0;
	[sflag:s25] =	ssyncset.done $0x0  }
0x4b: {  	s5 =	simm.s32 @!p1 $0x4;
	[sflag:s25] =	ssyncadd.s32 $0xFFFFC000  }
0x4c: {  	s9 =	simm.s32 $0x1;
	_ =	swait.ge @!p1 [sflag:s5], $0x4000  }
0x4d: {  	s15 =	simm.s32 $0x2;
	v6 =	vmov s9;
	[sflag:s5] =	ssyncset.done @!p1 $0x0  }
0x4e: {  	v8 =	vmov s15;
	s9 =	simm.s32 $0x3;
	v5 =	vor.u32 $0x100, v6;
	[sflag:s5] =	ssyncadd.s32 @!p1 $0xFFFFC000  }
0x4f: {  	s14 =	simm.s32 $0x4;
	v9 =	vmov s9;
	v7 =	vor.u32 $0x100, v8;
	_ =	swait.ge [sflag:s26], $0x200  }
0x50: {  	v11 =	vmov s14;
	s15 =	simm.s32 $0x5;
	v10 =	vor.u32 $0x100, v9;
	[sflag:s26] =	ssyncset.done $0x0  }
0x51: {  	v12 =	vor.u32 $0x100, v11;
	v13 =	vmov s15;
	s9 =	simm.s32 $0x6;
	[sflag:s26] =	ssyncadd.s32 $0xFFFFFE00  }
0x52: {  	v14 =	vor.u32 $0x100, v13;
	v15 =	vmov s9;
	[tilespmem:s29], [sflag:$0x2] =	stream.indirect.gather [spmem:s1], $0x80, s28, s24, $0xb8;
	[tilespmem:$0x1BCC0] =	vst v63  }
0x53: {  	v16 =	vor.u32 $0x100, v15;
	v17 =	vld.idx.msk [tilespmem:v5+s3+$0x0], $0xffff  }
0x54: {  	v21 =	vld.idx.msk [tilespmem:v7+s3+$0x0], $0xffff  }
0x55: {  	s14 =	simm.s32 $0x7;
	v22 =	vor.u32 $0x180, v6;
	v10 =	vld.idx.msk [tilespmem:v10+s3+$0x0], $0xffff  }
0x56: {  	v24 =	vmov s14;
	v25 =	vor.u32 $0x180, v8;
	v18 =	vor.u32 $0x180, v11;
	v23 =	vld.idx.msk [tilespmem:v12+s3+$0x0], $0xffff  }
0x57: {  	v6 =	vshll.u32 v6, $0x7;
	v28 =	vshll.u32 v8, $0x7;
	v19 =	vshll.u32 v11, $0x7;
	v14 =	vld.idx.msk [tilespmem:v14+s3+$0x0], $0xffff  }
0x58: {  	v20 =	vor.u32 $0x180, v9;
	v26 =	vor.u32 $0x100, v24;
	v29 =	vshll.u32 v9, $0x7;
	v27 =	vld.idx.msk [tilespmem:v16+s3+$0x0], $0xffff  }
0x59: {  	v40 =	vshll.u32 v24, $0x7;
	v24 =	vor.u32 $0x180, v24;
	v8 =	vor.u32 $0x180, v15  }
0x5a: {  	v11 =	vshll.u32 v15, $0x7;
	v5 =	vmov s0;
	v12 =	vor.u32 $0x180, v13  }
0x5b: {  	v16 =	vshll.u32 v13, $0x7;
	v7 =	vor.u32 $0x100, v5;
	v13 =	vshll.u32 v17, $0x6  }
0x5c: {  	v15 =	vshll.u32 v21, $0x6;
	v10 =	vshll.u32 v10, $0x6;
	v21 =	vshll.u32 v23, $0x6  }
0x5d: {  	v17 =	vshll.u32 v14, $0x6;
	v9 =	vshll.u32 v27, $0x6;
	v23 =	vor.u32 v1, v13  }
0x5e: {  	v14 =	vld.idx.msk [tilespmem:v26+s3+$0x0], $0xffff;
	v26 =	vand.u32 $0xFFFFFF80, v13;
	v27 =	vor.u32 v2, v13;
	v30 =	vor.u32 v3, v13  }
0x5f: {  	v13 =	vor.u32 v4, v13;
	v31 =	vor.u32 v1, v15;
	v32 =	vand.u32 $0xFFFFFF80, v15  }
0x60: {  	v33 =	vor.u32 v2, v15;
	v34 =	vor.u32 v3, v15;
	v15 =	vor.u32 v4, v15  }
0x61: {  	v35 =	vor.u32 v1, v10;
	v36 =	vand.u32 $0xFFFFFF80, v10;
	v37 =	vor.u32 v2, v10  }
0x62: {  	v38 =	vor.u32 v3, v10;
	v10 =	vor.u32 v4, v10;
	v63 =	vor.u32 v1, v21  }
0x63: {  	v42 =	vand.u32 $0xFFFFFF80, v21;
	v23 =	vand.u32 $0x4F, v23;
	v6 =	vadd.s32 v6, v26  }
0x64: {  	v50 =	vor.u32 v2, v21;
	v51 =	vor.u32 v3, v21;
	v23 =	vor.u32 v23, v6  }
0x65: {  	v21 =	vor.u32 v4, v21;
	v44 =	vor.u32 v1, v17;
	v27 =	vand.u32 $0x5F, v27  }
0x66: {  	v61 =	vor.u32 v3, v17;
	v30 =	vand.u32 $0x6F, v30;
	v27 =	vor.u32 v27, v6  }
0x67: {  	v13 =	vand.u32 $0x7F, v13;
	v31 =	vand.u32 $0x4F, v31;
	v14 =	vshll.u32 v14, $0x6  }
0x68: {  	v22 =	vld.idx.msk [tilespmem:v22+s3+$0x0], $0xffff;
	v30 =	vor.u32 v30, v6;
	v39 =	vand.u32 $0xFFFFFF80, v14;
	v41 =	vor.u32 v4, v14  }
0x69: {  	v6 =	vor.u32 v13, v6;
	v39 =	vadd.s32 v40, v39;
	v62 =	vand.u32 $0x7F, v41;
	v23 =	vld.idx.msk [tilespmem:v23+s21+$0x0], $0xffff  }
0x6a: {  	v25 =	vld.idx.msk [tilespmem:v25+s3+$0x0], $0xffff;
	v28 =	vadd.s32 v28, v32;
	v33 =	vand.u32 $0x5F, v33;
	v26 =	vor.u32 v62, v39  }
0x6b: {  	v15 =	vand.u32 $0x7F, v15;
	v52 =	vand.u32 $0x4F, v35;
	v31 =	vor.u32 v31, v28;
	v27 =	vld.idx.msk [tilespmem:v27+s21+$0x0], $0xffff  }
0x6c: {  	v24 =	vld.idx.msk [tilespmem:v24+s3+$0x0], $0xffff;
	v29 =	vadd.s32 v29, v36;
	v33 =	vor.u32 v33, v28;
	v48 =	vor.u32 v1, v14  }
0x6d: {  	v49 =	vor.u32 v2, v14;
	v14 =	vor.u32 v3, v14;
	v13 =	vand.u32 $0x4F, v48;
	v30 =	vld.idx.msk [tilespmem:v30+s21+$0x0], $0xffff  }
0x6e: {  	v41 =	vand.u32 $0x5F, v49;
	v13 =	vor.u32 v13, v39;
	v43 =	vld.idx.msk [tilespmem:v6+s21+$0x0], $0xffff;
	v23 =	vmul.bf16 v23, v22  }
0x6f: {  	v14 =	vand.u32 $0x6F, v14;
	v41 =	vor.u32 v41, v39;
	v6 =	vand.u32 $0x6F, v34;
	v26 =	vld.idx.msk [tilespmem:v26+s21+$0x0], $0xffff  }
0x70: {  	s14 =	simm.s32 $0x600;
	v31 =	vld.idx.msk [tilespmem:v31+s21+$0x0], $0xffff;
	v56 =	vor.u32 v6, v28;
	v27 =	vmul.bf16 v27, v22;
	v6 =	vunpack.i.l.bf16.f32 v23  }
0x71: {  	v58 =	vand.u32 $0x7F, v10;
	v14 =	vor.u32 v14, v39;
	v10 =	vunpack.i.u.bf16.f32 v23;
	[tilespmem:s14+$0xFFFFFE80] =	vst v6  }
0x72: {  	v7 =	vld.idx.msk [tilespmem:v7+s3+$0x0], $0xffff;
	v23 =	vor.u32 v15, v28;
	v15 =	vmul.bf16 v30, v22;
	[tilespmem:s14+$0xFFFFFE90] =	vst v10;
	v10 =	vunpack.i.l.bf16.f32 v27  }
0x73: {  	v54 =	vand.u32 $0x5F, v37;
	v13 =	vld.idx.msk [tilespmem:v13+s21+$0x0], $0xffff;
	v22 =	vmul.bf16 v43, v22;
	v27 =	vunpack.i.u.bf16.f32 v27;
	[tilespmem:s14+$0xFFFFFEA0] =	vst v10  }
0x74: {  	v57 =	vand.u32 $0x6F, v38;
	v33 =	vld.idx.msk [tilespmem:v33+s21+$0x0], $0xffff;
	[tilespmem:s14+$0xFFFFFEB0] =	vst v27;
	v10 =	vunpack.i.l.bf16.f32 v15;
	v26 =	vmul.bf16 v26, v24  }
0x75: {  	v53 =	vld.idx.msk [tilespmem:v41+s21+$0x0], $0xffff;
	v31 =	vmul.bf16 v31, v25;
	v15 =	vunpack.i.u.bf16.f32 v15;
	v59 =	vunpack.i.l.bf16.f32 v22;
	[tilespmem:s14+$0xFFFFFEC0] =	vst v10  }
0x76: {  	v14 =	vld.idx.msk [tilespmem:v14+s21+$0x0], $0xffff;
	[tilespmem:s14+$0xFFFFFED0] =	vst v15;
	v55 =	vunpack.i.u.bf16.f32 v26;
	v6 =	vunpack.i.l.bf16.f32 v26;
	v26 =	vor.u32 v52, v29  }
0x77: {  	v19 =	vadd.s32 v19, v42;
	v28 =	vor.u32 v54, v29;
	v30 =	vld.idx.msk [tilespmem:v56+s21+$0x0], $0xffff;
	v22 =	vunpack.i.u.bf16.f32 v22;
	[tilespmem:s14+$0xFFFFFEE0] =	vst v59  }
0x78: {  	v60 =	vand.u32 $0x6F, v51;
	v13 =	vmul.bf16 v13, v24;
	[tilespmem:s14+$0xFFFFFEF0] =	vst v22;
	v22 =	vunpack.i.l.bf16.f32 v31;
	v23 =	vld.idx.msk [tilespmem:v23+s21+$0x0], $0xffff  }
0x79: {  	v21 =	vand.u32 $0x7F, v21;
	v7 =	vshll.u32 v7, $0x6;
	v33 =	vmul.bf16 v33, v25;
	[tilespmem:s14+$0xFFFFFF00] =	vst v22  }
0x7a: {  	v20 =	vld.idx.msk [tilespmem:v20+s3+$0x0], $0xffff;
	v27 =	vor.u32 v57, v29;
	v10 =	vunpack.i.u.bf16.f32 v13;
	v13 =	vunpack.i.l.bf16.f32 v13;
	[tilespmem:s14+$0x1F0] =	vst v55  }
0x7b: {  	v15 =	vmul.bf16 v53, v24;
	v14 =	vmul.bf16 v14, v24;
	[tilespmem:s14+$0x180] =	vst v13;
	v24 =	vld.idx.msk [tilespmem:v26+s21+$0x0], $0xffff;
	v26 =	vunpack.i.u.bf16.f32 v31  }
0x7c: {  	v22 =	vor.u32 v58, v29;
	v30 =	vmul.bf16 v30, v25;
	v28 =	vld.idx.msk [tilespmem:v28+s21+$0x0], $0xffff;
	v31 =	vunpack.i.u.bf16.f32 v33;
	[tilespmem:s14+$0xFFFFFF10] =	vst v26  }
0x7d: {  	v23 =	vmul.bf16 v23, v25;
	v25 =	vand.u32 $0x5F, v50;
	v26 =	vunpack.i.l.bf16.f32 v33;
	[tilespmem:s14+$0xFFFFFF30] =	vst v31  }
0x7e: {  	s9 =	simm.s32 $0xA;
	v29 =	vand.u32 $0x4F, v63;
	v31 =	vunpack.i.l.bf16.f32 v30;
	v25 =	vor.u32 v25, v19;
	[tilespmem:s14+$0xFFFFFF20] =	vst v26  }
0x7f: {  	v62 =	vmov s9;
	v27 =	vld.idx.msk [tilespmem:v27+s21+$0x0], $0xffff;
	v30 =	vunpack.i.u.bf16.f32 v30;
	v26 =	vor.u32 v29, v19;
	[tilespmem:s14+$0xFFFFFF40] =	vst v31  }
0x80: {  	v63 =	vunpack.i.u.bf16.f32 v14;
	[tilespmem:s14+$0xFFFFFF50] =	vst v30;
	v30 =	vunpack.i.l.bf16.f32 v23;
	v24 =	vmul.bf16 v24, v20  }
0x81: {  	v22 =	vld.idx.msk [tilespmem:v22+s21+$0x0], $0xffff;
	v28 =	vmul.bf16 v28, v20;
	v29 =	vand.u32 $0xFFFFFF80, v17;
	v23 =	vunpack.i.u.bf16.f32 v23;
	[tilespmem:s14+$0xFFFFFF60] =	vst v30  }
0x82: {  	v18 =	vld.idx.msk [tilespmem:v18+s3+$0x0], $0xffff;
	v30 =	vor.u32 v60, v19;
	[tilespmem:s14+$0xFFFFFF70] =	vst v23;
	v19 =	vor.u32 v21, v19;
	v23 =	vunpack.i.l.bf16.f32 v24  }
0x83: {  	v21 =	vand.u32 $0x4F, v44;
	v16 =	vadd.s32 v16, v29;
	v25 =	vld.idx.msk [tilespmem:v25+s21+$0x0], $0xffff;
	v24 =	vunpack.i.u.bf16.f32 v24;
	[tilespmem:s14+$0xFFFFFF80] =	vst v23  }
0x84: {  	v21 =	vor.u32 v21, v16;
	v26 =	vld.idx.msk [tilespmem:v26+s21+$0x0], $0xffff;
	[tilespmem:s14+$0xFFFFFF90] =	vst v24;
	v23 =	vunpack.i.l.bf16.f32 v28;
	v24 =	vmul.bf16 v27, v20  }
0x85: {  	v31 =	vor.u32 v2, v17;
	v17 =	vor.u32 v4, v17;
	v27 =	vunpack.i.u.bf16.f32 v28;
	[tilespmem:s14+$0xFFFFFFA0] =	vst v23  }
0x86: {  	v12 =	vld.idx.msk [tilespmem:v12+s3+$0x0], $0xffff;
	v17 =	vand.u32 $0x7F, v17;
	v20 =	vmul.bf16 v22, v20;
	[tilespmem:s14+$0xFFFFFFB0] =	vst v27;
	v23 =	vunpack.i.l.bf16.f32 v24  }
0x87: {  	v22 =	vand.u32 $0x5F, v31;
	v28 =	vand.u32 $0x6F, v61;
	v27 =	vld.idx.msk [tilespmem:v30+s21+$0x0], $0xffff;
	v24 =	vunpack.i.u.bf16.f32 v24;
	[tilespmem:s14+$0xFFFFFFC0] =	vst v23  }
0x88: {  	v19 =	vld.idx.msk [tilespmem:v19+s21+$0x0], $0xffff;
	v22 =	vor.u32 v22, v16;
	v23 =	vor.u32 v1, v9;
	[tilespmem:s14+$0xFFFFFFD0] =	vst v24;
	v24 =	vunpack.i.l.bf16.f32 v20  }
0x89: {  	[tilespmem:s14+$0x190] =	vst v10;
	v21 =	vld.idx.msk [tilespmem:v21+s21+$0x0], $0xffff;
	v20 =	vunpack.i.u.bf16.f32 v20;
	v25 =	vmul.bf16 v25, v18;
	v26 =	vmul.bf16 v26, v18  }
0x8a: {  	[tilespmem:s14+$0xFFFFFFE0] =	vst v24;
	v24 =	vor.u32 v28, v16;
	v28 =	vand.u32 $0xFFFFFF80, v9;
	v16 =	vor.u32 v17, v16  }
0x8b: {  	[tilespmem:s14+$0xFFFFFFF0] =	vst v20;
	v17 =	vand.u32 $0x4F, v23;
	v11 =	vadd.s32 v11, v28;
	v20 =	vunpack.i.l.bf16.f32 v26  }
0x8c: {  	v26 =	vunpack.i.u.bf16.f32 v26;
	v23 =	vmul.bf16 v27, v18;
	[tilespmem:s14+$0x0] =	vst v20;
	v20 =	vunpack.i.l.bf16.f32 v25  }
0x8d: {  	v22 =	vld.idx.msk [tilespmem:v22+s21+$0x0], $0xffff;
	v17 =	vor.u32 v17, v11;
	v18 =	vmul.bf16 v19, v18;
	v25 =	vunpack.i.u.bf16.f32 v25;
	[tilespmem:s14+$0x20] =	vst v20  }
0x8e: {  	v21 =	vmul.bf16 v21, v12;
	v20 =	vor.u32 v2, v9;
	[tilespmem:s14+$0x30] =	vst v25;
	v25 =	vunpack.i.l.bf16.f32 v23  }
0x8f: {  	[tilespmem:s14+$0x10] =	vst v26;
	v23 =	vunpack.i.u.bf16.f32 v23;
	v19 =	vand.u32 $0x5F, v20;
	v20 =	vld.idx.msk [tilespmem:v24+s21+$0x0], $0xffff;
	v24 =	vor.u32 v3, v9  }
0x90: {  	[tilespmem:s14+$0x50] =	vst v23;
	v23 =	vunpack.i.l.bf16.f32 v18;
	v18 =	vunpack.i.u.bf16.f32 v18;
	v9 =	vor.u32 v4, v9  }
0x91: {  	v16 =	vld.idx.msk [tilespmem:v16+s21+$0x0], $0xffff;
	v19 =	vor.u32 v19, v11;
	v24 =	vand.u32 $0x6F, v24;
	[tilespmem:s14+$0x70] =	vst v18;
	v18 =	vunpack.i.l.bf16.f32 v21  }
0x92: {  	v8 =	vld.idx.msk [tilespmem:v8+s3+$0x0], $0xffff;
	[tilespmem:s14+$0x60] =	vst v23;
	v9 =	vand.u32 $0x7F, v9;
	v23 =	vor.u32 v24, v11;
	v22 =	vmul.bf16 v22, v12  }
0x93: {  	s15 =	simm.s32 $0x9;
	v14 =	vunpack.i.l.bf16.f32 v14;
	v21 =	vunpack.i.u.bf16.f32 v21;
	v17 =	vld.idx.msk [tilespmem:v17+s21+$0x0], $0xffff;
	[tilespmem:s14+$0x80] =	vst v18;
	v9 =	vor.u32 v9, v11  }
0x94: {  	v28 =	vmov s15;
	[tilespmem:s14+$0x90] =	vst v21;
	v18 =	vunpack.i.l.bf16.f32 v22;
	v20 =	vmul.bf16 v20, v12  }
0x95: {  	s15 =	simm.s32 $0xB;
	v11 =	vor.u32 $0x180, v5;
	v5 =	vshll.u32 v5, $0x7;
	v21 =	vunpack.i.u.bf16.f32 v22;
	[tilespmem:s14+$0xA0] =	vst v18  }
0x96: {  	[tilespmem:s14+$0xB0] =	vst v21;
	v16 =	vmul.bf16 v16, v12;
	v12 =	vmov s15;
	v19 =	vld.idx.msk [tilespmem:v19+s21+$0x0], $0xffff;
	v18 =	vunpack.i.l.bf16.f32 v20  }
0x97: {  	v22 =	vor.u32 $0x100, v28;
	v26 =	vor.u32 $0x100, v12;
	v21 =	vld.idx.msk [tilespmem:v23+s21+$0x0], $0xffff;
	v20 =	vunpack.i.u.bf16.f32 v20;
	[tilespmem:s14+$0xC0] =	vst v18  }
0x98: {  	v17 =	vmul.bf16 v17, v8;
	v9 =	vld.idx.msk [tilespmem:v9+s21+$0x0], $0xffff;
	v23 =	vand.u32 $0xFFFFFF80, v7;
	[tilespmem:s14+$0xD0] =	vst v20;
	v18 =	vunpack.i.l.bf16.f32 v16  }
0x99: {  	v20 =	vor.u32 v1, v7;
	v16 =	vunpack.i.u.bf16.f32 v16;
	v5 =	vadd.s32 v5, v23;
	[tilespmem:s14+$0xE0] =	vst v18  }
0x9a: {  	v18 =	vor.u32 v2, v7;
	[tilespmem:s14+$0xF0] =	vst v16;
	v16 =	vunpack.i.l.bf16.f32 v17;
	v20 =	vand.u32 $0x4F, v20  }
0x9b: {  	v17 =	vunpack.i.u.bf16.f32 v17;
	[tilespmem:s14+$0x100] =	vst v16;
	v16 =	vor.u32 v20, v5;
	v19 =	vmul.bf16 v19, v8  }
0x9c: {  	[tilespmem:s14+$0x1C0] =	vst v14;
	v18 =	vand.u32 $0x5F, v18;
	v20 =	vmul.bf16 v21, v8;
	v21 =	vor.u32 v3, v7  }
0x9d: {  	[tilespmem:s14+$0x110] =	vst v17;
	v8 =	vmul.bf16 v9, v8;
	v9 =	vor.u32 $0x100, v62;
	v17 =	vunpack.i.l.bf16.f32 v19  }
0x9e: {  	v7 =	vor.u32 v4, v7;
	v19 =	vunpack.i.u.bf16.f32 v19;
	[tilespmem:s14+$0x120] =	vst v17;
	v17 =	vor.u32 v18, v5  }
0x9f: {  	v23 =	vld.idx.msk [tilespmem:v22+s3+$0x0], $0xffff;
	v7 =	vand.u32 $0x7F, v7;
	[tilespmem:s14+$0x130] =	vst v19;
	v18 =	vunpack.i.l.bf16.f32 v20;
	v19 =	vand.u32 $0x6F, v21  }
0xa0: {  	s9 =	simm.s32 $0xC;
	[tilespmem:s14+$0x40] =	vst v25;
	v21 =	vunpack.i.u.bf16.f32 v20;
	v20 =	vld.idx.msk [tilespmem:v11+s3+$0x0], $0xffff;
	v31 =	vor.u32 v7, v5;
	v11 =	vor.u32 v19, v5  }
0xa1: {  	s15 =	simm.s32 $0xD;
	[tilespmem:s14+$0x140] =	vst v18;
	v18 =	vunpack.i.l.bf16.f32 v8;
	v16 =	vld.idx.msk [tilespmem:v16+s21+$0x0], $0xffff;
	v8 =	vunpack.i.u.bf16.f32 v8;
	v19 =	vmov s9  }
0xa2: {  	v27 =	vunpack.i.u.bf16.f32 v15;
	v25 =	vmov s15;
	s15 =	simm.s32 $0xE;
	v26 =	vld.idx.msk [tilespmem:v26+s3+$0x0], $0xffff;
	[tilespmem:s14+$0x170] =	vst v8;
	v8 =	vor.u32 $0x100, v19  }
0xa3: {  	v15 =	vunpack.i.l.bf16.f32 v15;
	v13 =	vmov s15;
	v30 =	vor.u32 $0x100, v25;
	[tilespmem:s14+$0x150] =	vst v21;
	s9 =	simm.s32 $0x8;
	v21 =	vld.idx.msk [tilespmem:v17+s21+$0x0], $0xffff  }
0xa4: {  	[tilespmem:s14+$0x1A0] =	vst v15;
	v15 =	vshll.u32 v62, $0x7;
	v29 =	vor.u32 $0x100, v13;
	v5 =	vmov s9;
	v24 =	vld.idx.msk [tilespmem:v9+s3+$0x0], $0xffff  }
0xa5: {  	v22 =	vor.u32 $0x180, v28;
	[tilespmem:s14+$0x160] =	vst v18;
	v10 =	vor.u32 $0x180, v19;
	v7 =	vor.u32 $0x100, v5;
	v18 =	vld.idx.msk [tilespmem:v11+s21+$0x0], $0xffff  }
0xa6: {  	[tilespmem:s14+$0x1B0] =	vst v27;
	v9 =	vor.u32 $0x180, v25;
	v17 =	vor.u32 $0x180, v62;
	v27 =	vld.idx.msk [tilespmem:v31+s21+$0x0], $0xffff;
	v31 =	vmul.bf16 v16, v20  }
0xa7: {  	s5 =	simm.s32 $0x10;
	[tilespmem:s14+$0x1D0] =	vst v63;
	s15 =	simm.s32 $0xF;
	s9 =	sshll.u32 s10, $0xA;
	v11 =	vor.u32 $0x180, v12;
	v16 =	vshll.u32 v28, $0x7;
	v28 =	vld.idx.msk [tilespmem:v8+s3+$0x0], $0xffff;
	v8 =	vor.u32 $0x180, v13  }
.LBB2_9:
0xa8: {  	p1 =	slt.u32 s5, $0x78;
	v14 =	vld.idx.msk [tilespmem:v30+s3+$0x0], $0xffff;
	v30 =	vmov s15;
	v32 =	vunpack.i.l.bf16.f32 v31;
	v33 =	vmul.bf16 v21, v20;
	[tilespmem:s14+$0x1E0] =	vst v6  }
0xa9: {  	v6 =	vshll.u32 v12, $0x7;
	v31 =	vunpack.i.u.bf16.f32 v31;
	v12 =	vld.idx.msk [tilespmem:v29+s3+$0x0], $0xffff;
	v29 =	vor.u32 $0x100, v30;
	[tilespmem:s14+$0xFFFFFE00] =	vst v32  }
0xaa: {  	v21 =	vshll.u32 v19, $0x7;
	v18 =	vmul.bf16 v18, v20;
	[tilespmem:s14+$0xFFFFFE10] =	vst v31;
	v31 =	vunpack.i.l.bf16.f32 v33  }
0xab: {  	v19 =	vshll.u32 v25, $0x7;
	v13 =	vshll.u32 v13, $0x7;
	v25 =	vunpack.i.u.bf16.f32 v33;
	[tilespmem:s14+$0xFFFFFE20] =	vst v31  }
0xac: {  	v23 =	vshll.u32 v23, $0x6;
	v27 =	vmul.bf16 v27, v20;
	[tilespmem:s14+$0xFFFFFE30] =	vst v25;
	v25 =	vunpack.i.l.bf16.f32 v18  }
0xad: {  	v24 =	vshll.u32 v24, $0x6;
	v26 =	vshll.u32 v26, $0x6;
	v18 =	vunpack.i.u.bf16.f32 v18;
	[tilespmem:s14+$0xFFFFFE40] =	vst v25  }
0xae: {  	v25 =	vshll.u32 v28, $0x6;
	v20 =	vshll.u32 v14, $0x6;
	v14 =	vld.idx.msk [tilespmem:v29+s3+$0x0], $0xffff;
	[tilespmem:s14+$0xFFFFFE50] =	vst v18;
	v18 =	vunpack.i.l.bf16.f32 v27  }
0xaf: {  	v28 =	vor.u32 v1, v23;
	v12 =	vshll.u32 v12, $0x6;
	v27 =	vunpack.i.u.bf16.f32 v27;
	[tilespmem:s14+$0xFFFFFE60] =	vst v18  }
0xb0: {  	v31 =	vor.u32 v3, v23;
	v29 =	vor.u32 v2, v23;
	v18 =	vand.u32 $0xFFFFFF80, v23;
	[tilespmem:s14+$0xFFFFFE70] =	vst v27  }
0xb1: {  	v32 =	vand.u32 $0xFFFFFF80, v24;
	v23 =	vor.u32 v4, v23;
	v27 =	vor.u32 v1, v24  }
0xb2: {  	v34 =	vor.u32 v3, v24;
	v33 =	vor.u32 v2, v24;
	v24 =	vor.u32 v4, v24  }
0xb3: {  	v35 =	vor.u32 v1, v26;
	v36 =	vand.u32 $0xFFFFFF80, v26;
	v37 =	vor.u32 v2, v26  }
0xb4: {  	v38 =	vor.u32 v3, v26;
	v26 =	vor.u32 v4, v26;
	v14 =	vshll.u32 v14, $0x6  }
0xb5: {  	v40 =	vshll.u32 v30, $0x7;
	v39 =	vand.u32 $0xFFFFFF80, v14;
	v41 =	vor.u32 v4, v14  }
0xb6: {  	v30 =	vor.u32 $0x180, v30;
	v39 =	vadd.s32 v40, v39;
	v40 =	vand.u32 $0x7F, v41  }
0xb7: {  	v28 =	vand.u32 $0x4F, v28;
	v16 =	vadd.s32 v16, v18;
	v18 =	vor.u32 v40, v39  }
0xb8: {  	v29 =	vand.u32 $0x5F, v29;
	v28 =	vor.u32 v28, v16;
	v40 =	vor.u32 v1, v25  }
0xb9: {  	v31 =	vand.u32 $0x6F, v31;
	v29 =	vor.u32 v29, v16;
	v41 =	vand.u32 $0xFFFFFF80, v25;
	v22 =	vld.idx.msk [tilespmem:v22+s3+$0x0], $0xffff  }
0xba: {  	v43 =	vor.u32 v2, v25;
	v23 =	vand.u32 $0x7F, v23;
	v31 =	vor.u32 v31, v16;
	v42 =	vld.idx.msk [tilespmem:v17+s3+$0x0], $0xffff  }
0xbb: {  	v15 =	vadd.s32 v15, v32;
	v16 =	vor.u32 v23, v16;
	v17 =	vand.u32 $0x4F, v27;
	v23 =	vld.idx.msk [tilespmem:v30+s3+$0x0], $0xffff  }
0xbc: {  	v27 =	vand.u32 $0x5F, v33;
	v17 =	vor.u32 v17, v15;
	v30 =	vor.u32 v1, v14;
	v18 =	vld.idx.msk [tilespmem:v18+s21+$0x0], $0xffff  }
0xbd: {  	v32 =	vor.u32 v2, v14;
	v27 =	vor.u32 v27, v15;
	v30 =	vand.u32 $0x4F, v30;
	v28 =	vld.idx.msk [tilespmem:v28+s21+$0x0], $0xffff  }
0xbe: {  	v32 =	vand.u32 $0x5F, v32;
	v14 =	vor.u32 v3, v14;
	v30 =	vor.u32 v30, v39;
	v29 =	vld.idx.msk [tilespmem:v29+s21+$0x0], $0xffff  }
0xbf: {  	v32 =	vor.u32 v32, v39;
	v33 =	vor.u32 v3, v25;
	v14 =	vand.u32 $0x6F, v14;
	v31 =	vld.idx.msk [tilespmem:v31+s21+$0x0], $0xffff  }
0xc0: {  	v44 =	vor.u32 v1, v20;
	v25 =	vor.u32 v4, v25;
	v14 =	vor.u32 v14, v39;
	v16 =	vld.idx.msk [tilespmem:v16+s21+$0x0], $0xffff  }
0xc1: {  	v34 =	vand.u32 $0x6F, v34;
	v35 =	vand.u32 $0x4F, v35;
	v24 =	vand.u32 $0x7F, v24;
	v17 =	vld.idx.msk [tilespmem:v17+s21+$0x0], $0xffff  }
0xc2: {  	v36 =	vadd.s32 v6, v36;
	v37 =	vand.u32 $0x5F, v37;
	v6 =	vmul.bf16 v18, v23;
	v27 =	vld.idx.msk [tilespmem:v27+s21+$0x0], $0xffff  }
0xc3: {  	v26 =	vand.u32 $0x7F, v26;
	v18 =	vmul.bf16 v28, v22;
	v28 =	vand.u32 $0x6F, v38;
	v30 =	vld.idx.msk [tilespmem:v30+s21+$0x0], $0xffff  }
0xc4: {  	v34 =	vor.u32 v34, v15;
	s14 =	sadd.s32 $0x400, s14;
	v38 =	vunpack.i.u.bf16.f32 v6;
	v6 =	vunpack.i.l.bf16.f32 v6;
	v32 =	vld.idx.msk [tilespmem:v32+s21+$0x0], $0xffff  }
0xc5: {  	v15 =	vor.u32 v24, v15;
	v29 =	vmul.bf16 v29, v22;
	v39 =	vunpack.i.l.bf16.f32 v18;
	v14 =	vld.idx.msk [tilespmem:v14+s21+$0x0], $0xffff;
	[tilespmem:s14+$0x1F0] =	vst v38  }
0xc6: {  	v24 =	vor.u32 v35, v36;
	v35 =	vor.u32 v37, v36;
	v18 =	vunpack.i.u.bf16.f32 v18;
	[tilespmem:s14+$0xFFFFFE80] =	vst v39  }
0xc7: {  	v28 =	vor.u32 v28, v36;
	v31 =	vmul.bf16 v31, v22;
	[tilespmem:s14+$0xFFFFFE90] =	vst v18;
	v18 =	vunpack.i.l.bf16.f32 v29  }
0xc8: {  	v16 =	vmul.bf16 v16, v22;
	v22 =	vmul.bf16 v17, v42;
	v29 =	vunpack.i.u.bf16.f32 v29;
	[tilespmem:s14+$0xFFFFFEA0] =	vst v18  }
0xc9: {  	v17 =	vunpack.i.l.bf16.f32 v31;
	v27 =	vmul.bf16 v27, v42;
	v18 =	vmul.bf16 v30, v23;
	[tilespmem:s14+$0xFFFFFEB0] =	vst v29;
	v29 =	vld.idx.msk [tilespmem:v34+s21+$0x0], $0xffff  }
0xca: {  	v30 =	vunpack.i.u.bf16.f32 v31;
	v31 =	vunpack.i.l.bf16.f32 v16;
	v32 =	vmul.bf16 v32, v23;
	[tilespmem:s14+$0xFFFFFEC0] =	vst v17  }
0xcb: {  	v17 =	vunpack.i.u.bf16.f32 v18;
	v18 =	vunpack.i.l.bf16.f32 v18;
	v23 =	vmul.bf16 v14, v23;
	[tilespmem:s14+$0xFFFFFED0] =	vst v30;
	v30 =	vld.idx.msk [tilespmem:v15+s21+$0x0], $0xffff  }
0xcc: {  	v14 =	vunpack.i.u.bf16.f32 v16;
	v15 =	vunpack.i.u.bf16.f32 v32;
	[tilespmem:s14+$0xFFFFFEE0] =	vst v31;
	v31 =	vld.idx.msk [tilespmem:v11+s3+$0x0], $0xffff;
	v11 =	vunpack.i.l.bf16.f32 v32  }
0xcd: {  	v32 =	vunpack.i.l.bf16.f32 v22;
	v16 =	vunpack.i.l.bf16.f32 v23;
	[tilespmem:s14+$0xFFFFFEF0] =	vst v14;
	v24 =	vld.idx.msk [tilespmem:v24+s21+$0x0], $0xffff;
	v14 =	vunpack.i.u.bf16.f32 v23  }
0xce: {  	v22 =	vunpack.i.u.bf16.f32 v22;
	v23 =	vor.u32 v26, v36;
	v26 =	vand.u32 $0x4F, v40;
	[tilespmem:s14+$0xFFFFFF00] =	vst v32  }
0xcf: {  	v21 =	vadd.s32 v21, v41;
	v29 =	vmul.bf16 v29, v42;
	[tilespmem:s14+$0xFFFFFF10] =	vst v22;
	v22 =	vunpack.i.l.bf16.f32 v27;
	v32 =	vld.idx.msk [tilespmem:v35+s21+$0x0], $0xffff  }
0xd0: {  	v27 =	vunpack.i.u.bf16.f32 v27;
	[tilespmem:s14+$0xFFFFFF20] =	vst v22;
	v22 =	vor.u32 v26, v21;
	v26 =	vand.u32 $0xFFFFFF80, v20  }
0xd1: {  	v34 =	vand.u32 $0x5F, v43;
	v30 =	vmul.bf16 v30, v42;
	[tilespmem:s14+$0xFFFFFF30] =	vst v27;
	v27 =	vunpack.i.l.bf16.f32 v29;
	v28 =	vld.idx.msk [tilespmem:v28+s21+$0x0], $0xffff  }
0xd2: {  	v29 =	vunpack.i.u.bf16.f32 v29;
	[tilespmem:s14+$0xFFFFFF40] =	vst v27;
	v27 =	vor.u32 v34, v21;
	v34 =	vor.u32 v2, v20  }
0xd3: {  	v33 =	vand.u32 $0x6F, v33;
	v24 =	vmul.bf16 v24, v31;
	[tilespmem:s14+$0xFFFFFF50] =	vst v29;
	v29 =	vunpack.i.l.bf16.f32 v30;
	v23 =	vld.idx.msk [tilespmem:v23+s21+$0x0], $0xffff  }
0xd4: {  	v30 =	vunpack.i.u.bf16.f32 v30;
	[tilespmem:s14+$0xFFFFFF60] =	vst v29;
	v10 =	vld.idx.msk [tilespmem:v10+s3+$0x0], $0xffff;
	v29 =	vor.u32 v33, v21;
	v33 =	vor.u32 v3, v20  }
0xd5: {  	v25 =	vand.u32 $0x7F, v25;
	v32 =	vmul.bf16 v32, v31;
	[tilespmem:s14+$0xFFFFFF70] =	vst v30;
	v30 =	vunpack.i.l.bf16.f32 v24;
	v22 =	vld.idx.msk [tilespmem:v22+s21+$0x0], $0xffff  }
0xd6: {  	v21 =	vor.u32 v25, v21;
	v25 =	vand.u32 $0x4F, v44;
	v24 =	vunpack.i.u.bf16.f32 v24;
	[tilespmem:s14+$0xFFFFFF80] =	vst v30  }
0xd7: {  	v19 =	vadd.s32 v19, v26;
	v28 =	vmul.bf16 v28, v31;
	[tilespmem:s14+$0xFFFFFF90] =	vst v24;
	v24 =	vunpack.i.l.bf16.f32 v32;
	v27 =	vld.idx.msk [tilespmem:v27+s21+$0x0], $0xffff  }
0xd8: {  	v20 =	vor.u32 v4, v20;
	v26 =	vunpack.i.u.bf16.f32 v32;
	[tilespmem:s14+$0xFFFFFFA0] =	vst v24;
	v24 =	vor.u32 v25, v19  }
0xd9: {  	v25 =	vunpack.i.l.bf16.f32 v28;
	v23 =	vmul.bf16 v23, v31;
	[tilespmem:s14+$0xFFFFFFB0] =	vst v26;
	v26 =	vld.idx.msk [tilespmem:v29+s21+$0x0], $0xffff;
	v29 =	vand.u32 $0x5F, v34  }
0xda: {  	v28 =	vunpack.i.u.bf16.f32 v28;
	[tilespmem:s14+$0xFFFFFFC0] =	vst v25;
	v25 =	vor.u32 v29, v19;
	v29 =	vor.u32 v1, v12  }
0xdb: {  	v30 =	vand.u32 $0x6F, v33;
	v22 =	vmul.bf16 v22, v10;
	[tilespmem:s14+$0xFFFFFFD0] =	vst v28;
	v28 =	vunpack.i.l.bf16.f32 v23;
	v21 =	vld.idx.msk [tilespmem:v21+s21+$0x0], $0xffff  }
0xdc: {  	v23 =	vunpack.i.u.bf16.f32 v23;
	[tilespmem:s14+$0xFFFFFFE0] =	vst v28;
	v9 =	vld.idx.msk [tilespmem:v9+s3+$0x0], $0xffff;
	v28 =	vor.u32 v30, v19;
	v30 =	vand.u32 $0xFFFFFF80, v12  }
0xdd: {  	v20 =	vand.u32 $0x7F, v20;
	v27 =	vmul.bf16 v27, v10;
	[tilespmem:s14+$0xFFFFFFF0] =	vst v23;
	v23 =	vunpack.i.l.bf16.f32 v22;
	v24 =	vld.idx.msk [tilespmem:v24+s21+$0x0], $0xffff  }
0xde: {  	v19 =	vor.u32 v20, v19;
	v20 =	vand.u32 $0x4F, v29;
	v22 =	vunpack.i.u.bf16.f32 v22;
	[tilespmem:s14+$0x0] =	vst v23  }
0xdf: {  	v13 =	vadd.s32 v13, v30;
	v23 =	vmul.bf16 v26, v10;
	[tilespmem:s14+$0x10] =	vst v22;
	v22 =	vunpack.i.l.bf16.f32 v27;
	v25 =	vld.idx.msk [tilespmem:v25+s21+$0x0], $0xffff  }
0xe0: {  	v26 =	vunpack.i.u.bf16.f32 v27;
	v20 =	vor.u32 v20, v13;
	[tilespmem:s14+$0x20] =	vst v22;
	v22 =	vor.u32 v2, v12  }
0xe1: {  	v10 =	vmul.bf16 v21, v10;
	[tilespmem:s14+$0x30] =	vst v26;
	v26 =	vunpack.i.l.bf16.f32 v23;
	v21 =	vld.idx.msk [tilespmem:v28+s21+$0x0], $0xffff;
	v22 =	vand.u32 $0x5F, v22  }
0xe2: {  	v23 =	vunpack.i.u.bf16.f32 v23;
	v7 =	vld.idx.msk [tilespmem:v7+s3+$0x0], $0xffff;
	[tilespmem:s14+$0x40] =	vst v26;
	v22 =	vor.u32 v22, v13;
	v26 =	vor.u32 v3, v12  }
0xe3: {  	v24 =	vmul.bf16 v24, v9;
	[tilespmem:s14+$0x50] =	vst v23;
	v23 =	vunpack.i.l.bf16.f32 v10;
	v19 =	vld.idx.msk [tilespmem:v19+s21+$0x0], $0xffff;
	v26 =	vand.u32 $0x6F, v26  }
0xe4: {  	v12 =	vor.u32 v4, v12;
	v10 =	vunpack.i.u.bf16.f32 v10;
	[tilespmem:s14+$0x60] =	vst v23;
	v8 =	vld.idx.msk [tilespmem:v8+s3+$0x0], $0xffff;
	v23 =	vor.u32 v26, v13  }
0xe5: {  	v12 =	vand.u32 $0x7F, v12;
	v25 =	vmul.bf16 v25, v9;
	[tilespmem:s14+$0x70] =	vst v10;
	v10 =	vunpack.i.l.bf16.f32 v24;
	v20 =	vld.idx.msk [tilespmem:v20+s21+$0x0], $0xffff  }
0xe6: {  	v24 =	vunpack.i.u.bf16.f32 v24;
	[tilespmem:s14+$0x80] =	vst v10;
	v10 =	vor.u32 v12, v13  }
0xe7: {  	s15 =	sadd.s32 $0x1, s5;
	v13 =	vor.u32 $0x180, v5;
	v12 =	vunpack.i.l.bf16.f32 v25;
	v21 =	vmul.bf16 v21, v9;
	[tilespmem:s14+$0x90] =	vst v24;
	v22 =	vld.idx.msk [tilespmem:v22+s21+$0x0], $0xffff  }
0xe8: {  	v28 =	vmov s15;
	s15 =	sadd.s32 $0x2, s5;
	v5 =	vshll.u32 v5, $0x7;
	v24 =	vunpack.i.u.bf16.f32 v25;
	[tilespmem:s14+$0xA0] =	vst v12  }
0xe9: {  	v32 =	vmov s15;
	s15 =	sadd.s32 $0x3, s5;
	v9 =	vmul.bf16 v19, v9;
	[tilespmem:s14+$0xB0] =	vst v24;
	v24 =	vunpack.i.l.bf16.f32 v21;
	v19 =	vld.idx.msk [tilespmem:v23+s21+$0x0], $0xffff  }
0xea: {  	v12 =	vmov s15;
	v23 =	vor.u32 $0x100, v28;
	v21 =	vunpack.i.u.bf16.f32 v21;
	[tilespmem:s14+$0xC0] =	vst v24  }
0xeb: {  	v7 =	vshll.u32 v7, $0x6;
	v20 =	vmul.bf16 v20, v8;
	[tilespmem:s14+$0xD0] =	vst v21;
	v21 =	vunpack.i.l.bf16.f32 v9;
	v10 =	vld.idx.msk [tilespmem:v10+s21+$0x0], $0xffff  }
0xec: {  	v25 =	vand.u32 $0xFFFFFF80, v7;
	v24 =	vor.u32 v1, v7;
	v9 =	vunpack.i.u.bf16.f32 v9;
	[tilespmem:s14+$0xE0] =	vst v21  }
0xed: {  	v21 =	vor.u32 v2, v7;
	v22 =	vmul.bf16 v22, v8;
	[tilespmem:s14+$0xF0] =	vst v9;
	v9 =	vunpack.i.l.bf16.f32 v20  }
0xee: {  	v5 =	vadd.s32 v5, v25;
	v24 =	vand.u32 $0x4F, v24;
	v20 =	vunpack.i.u.bf16.f32 v20;
	[tilespmem:s14+$0x100] =	vst v9  }
0xef: {  	v9 =	vor.u32 v24, v5;
	v19 =	vmul.bf16 v19, v8;
	[tilespmem:s14+$0x110] =	vst v20;
	v20 =	vunpack.i.l.bf16.f32 v22  }
0xf0: {  	v21 =	vand.u32 $0x5F, v21;
	v24 =	vor.u32 v3, v7;
	v22 =	vunpack.i.u.bf16.f32 v22;
	[tilespmem:s14+$0x120] =	vst v20  }
0xf1: {  	v21 =	vor.u32 v21, v5;
	v20 =	vunpack.i.l.bf16.f32 v19;
	v8 =	vmul.bf16 v10, v8;
	[tilespmem:s14+$0x130] =	vst v22  }
0xf2: {  	v10 =	vor.u32 $0x100, v32;
	v19 =	vunpack.i.u.bf16.f32 v19;
	v22 =	vand.u32 $0x6F, v24;
	[tilespmem:s14+$0x140] =	vst v20  }
0xf3: {  	v7 =	vor.u32 v4, v7;
	v22 =	vor.u32 v22, v5;
	v20 =	vld.idx.msk [tilespmem:v13+s3+$0x0], $0xffff;
	[tilespmem:s14+$0x150] =	vst v19;
	v13 =	vunpack.i.l.bf16.f32 v8  }
0xf4: {  	s15 =	sadd.s32 $0x4, s5;
	v26 =	vor.u32 $0x100, v12;
	v7 =	vand.u32 $0x7F, v7;
	v8 =	vunpack.i.u.bf16.f32 v8;
	v31 =	vld.idx.msk [tilespmem:v9+s21+$0x0], $0xffff;
	[tilespmem:s14+$0x160] =	vst v13  }
0xf5: {  	v27 =	vor.u32 v7, v5;
	v19 =	vmov s15;
	s15 =	sadd.s32 $0x5, s5;
	v23 =	vld.idx.msk [tilespmem:v23+s3+$0x0], $0xffff;
	[tilespmem:s14+$0x170] =	vst v8  }
0xf6: {  	v25 =	vmov s15;
	s15 =	sadd.s32 $0x6, s5;
	v8 =	vor.u32 $0x100, v19;
	v21 =	vld.idx.msk [tilespmem:v21+s21+$0x0], $0xffff;
	[tilespmem:s14+$0x180] =	vst v18  }
.Ltmp4:
0xf7: {  	v5 =	vmov s5;
	v30 =	vor.u32 $0x100, v25;
	v13 =	vmov s15;
	v24 =	vld.idx.msk [tilespmem:v10+s3+$0x0], $0xffff;
	[tilespmem:s14+$0x190] =	vst v17;
	(pc) =	sbr.rel @p1 .LBB2_9-.Ltmp4, $4  }
0xf8: {  	v7 =	vor.u32 $0x100, v5;
	v29 =	vor.u32 $0x100, v13;
	v18 =	vld.idx.msk [tilespmem:v22+s21+$0x0], $0xffff;
	[tilespmem:s14+$0x1A0] =	vst v11  }
0xf9: {  	v17 =	vor.u32 $0x180, v32;
	v22 =	vor.u32 $0x180, v28;
	v11 =	vor.u32 $0x180, v12;
	v26 =	vld.idx.msk [tilespmem:v26+s3+$0x0], $0xffff;
	[tilespmem:s14+$0x1B0] =	vst v15  }
0xfa: {  	v9 =	vor.u32 $0x180, v25;
	v10 =	vor.u32 $0x180, v19;
	v31 =	vmul.bf16 v31, v20;
	v27 =	vld.idx.msk [tilespmem:v27+s21+$0x0], $0xffff;
	[tilespmem:s14+$0x1C0] =	vst v16  }
0xfb: {  	s15 =	sadd.s32 $0x7, s5;
	s5 =	sadd.s32 $0x8, s5;
	v15 =	vshll.u32 v32, $0x7;
	v16 =	vshll.u32 v28, $0x7;
	v28 =	vld.idx.msk [tilespmem:v8+s3+$0x0], $0xffff;
	v8 =	vor.u32 $0x180, v13;
	[tilespmem:s14+$0x1D0] =	vst v14  }
0xfc: {  	_ =	sdelay $0x1  }
0xfd: {  	v14 =	vmov s15  }
0xfe: {  	v33 =	vunpack.i.l.bf16.f32 v31;
	v34 =	vmul.bf16 v21, v20;
	v35 =	vshll.u32 v12, $0x7  }
0xff: {  	v12 =	vld.idx.msk [tilespmem:v29+s3+$0x0], $0xffff;
	v29 =	vunpack.i.u.bf16.f32 v31;
	v21 =	vshll.u32 v19, $0x7;
	v19 =	vshll.u32 v25, $0x7  }
0x100: {  	v23 =	vshll.u32 v23, $0x6;
	v24 =	vshll.u32 v24, $0x6;
	v32 =	vor.u32 $0x100, v14  }
0x101: {  	v31 =	vmul.bf16 v18, v20;
	v18 =	vshll.u32 v13, $0x7;
	v37 =	vor.u32 v1, v23  }
0x102: {  	v38 =	vor.u32 v2, v23;
	v39 =	vor.u32 v3, v23;
	v40 =	vor.u32 v1, v24  }
0x103: {  	v30 =	vld.idx.msk [tilespmem:v30+s3+$0x0], $0xffff;
	v42 =	vshll.u32 v14, $0x7;
	v43 =	vand.u32 $0xFFFFFF80, v24;
	v49 =	vor.u32 v2, v24  }
0x104: {  	v14 =	vor.u32 $0x180, v14;
	v50 =	vor.u32 v3, v24;
	v24 =	vor.u32 v4, v24  }
0x105: {  	v36 =	vunpack.i.l.bf16.f32 v34;
	v25 =	vunpack.i.u.bf16.f32 v34;
	v37 =	vand.u32 $0x4F, v37  }
0x106: {  	[tilespmem:s14+$0x1E0] =	vst v6;
	v38 =	vand.u32 $0x5F, v38;
	v6 =	vand.u32 $0x6F, v39;
	v57 =	vadd.s32 v15, v43  }
0x107: {  	v15 =	vand.u32 $0x5F, v49;
	v24 =	vand.u32 $0x7F, v24;
	v27 =	vmul.bf16 v27, v20;
	v32 =	vld.idx.msk [tilespmem:v32+s3+$0x0], $0xffff  }
0x108: {  	v43 =	vor.u32 v15, v57;
	v24 =	vor.u32 v24, v57;
	v20 =	vshll.u32 v30, $0x6  }
0x109: {  	v30 =	vunpack.i.l.bf16.f32 v27;
	v13 =	vshll.u32 v12, $0x6;
	v12 =	vand.u32 $0xFFFFFF80, v23  }
0x10a: {  	v27 =	vunpack.i.u.bf16.f32 v27;
	v23 =	vor.u32 v4, v23;
	v12 =	vadd.s32 v16, v12  }
0x10b: {  	[tilespmem:s14+$0xFFFFFE70] =	vst v27;
	v27 =	vand.u32 $0x6F, v50;
	v37 =	vor.u32 v37, v12;
	v38 =	vor.u32 v38, v12  }
0x10c: {  	v22 =	vld.idx.msk [tilespmem:v22+s3+$0x0], $0xffff;
	v51 =	vor.u32 v6, v12;
	v6 =	vand.u32 $0x7F, v23;
	v32 =	vshll.u32 v32, $0x6  }
0x10d: {  	v17 =	vld.idx.msk [tilespmem:v17+s3+$0x0], $0xffff;
	v27 =	vor.u32 v27, v57;
	v41 =	vand.u32 $0xFFFFFF80, v32;
	v44 =	vor.u32 v4, v32  }
0x10e: {  	v12 =	vor.u32 v6, v12;
	v6 =	vld.idx.msk [tilespmem:v14+s3+$0x0], $0xffff;
	v41 =	vadd.s32 v42, v41;
	v44 =	vand.u32 $0x7F, v44  }
0x10f: {  	[tilespmem:s14+$0xFFFFFE00] =	vst v33;
	v26 =	vshll.u32 v26, $0x6;
	v56 =	vand.u32 $0x4F, v40;
	v63 =	vld.idx.msk [tilespmem:v43+s21+$0x0], $0xffff;
	v16 =	vor.u32 v44, v41  }
0x110: {  	v48 =	vunpack.i.l.bf16.f32 v31;
	v31 =	vunpack.i.u.bf16.f32 v31;
	[tilespmem:s14+$0xFFFFFE30] =	vst v25;
	v25 =	vor.u32 v1, v26;
	v24 =	vld.idx.msk [tilespmem:v24+s21+$0x0], $0xffff  }
0x111: {  	[tilespmem:s14+$0xFFFFFE10] =	vst v29;
	v53 =	vand.u32 $0xFFFFFF80, v26;
	v54 =	vor.u32 v2, v26;
	v28 =	vshll.u32 v28, $0x6;
	v55 =	vld.idx.msk [tilespmem:v38+s21+$0x0], $0xffff  }
0x112: {  	[tilespmem:s14+$0xFFFFFE20] =	vst v36;
	v25 =	vand.u32 $0x4F, v25;
	v23 =	vor.u32 v1, v32;
	v38 =	vor.u32 v56, v57;
	v27 =	vld.idx.msk [tilespmem:v27+s21+$0x0], $0xffff  }
0x113: {  	[tilespmem:s14+$0xFFFFFE40] =	vst v48;
	v34 =	vadd.s32 v35, v53;
	v29 =	vor.u32 v3, v32;
	v52 =	vld.idx.msk [tilespmem:v37+s21+$0x0], $0xffff;
	v14 =	vand.u32 $0x4F, v23  }
0x114: {  	[tilespmem:s14+$0xFFFFFE50] =	vst v31;
	v29 =	vand.u32 $0x6F, v29;
	v46 =	vmul.bf16 v63, v17;
	v14 =	vor.u32 v14, v41;
	v16 =	vld.idx.msk [tilespmem:v16+s21+$0x0], $0xffff  }
0x115: {  	v31 =	vor.u32 v3, v26;
	v25 =	vor.u32 v25, v34;
	v33 =	vld.idx.msk [tilespmem:v51+s21+$0x0], $0xffff;
	v29 =	vor.u32 v29, v41  }
0x116: {  	s5 =	sadd.s32 $0x400, s14;
	[tilespmem:s14+$0xFFFFFE60] =	vst v30;
	v30 =	vand.u32 $0xFFFFFF80, v28;
	v59 =	vld.idx.msk [tilespmem:v12+s21+$0x0], $0xffff;
	v48 =	vunpack.i.l.bf16.f32 v46;
	v37 =	vmul.bf16 v55, v22  }
0x117: {  	v21 =	vadd.s32 v21, v30;
	v30 =	vunpack.i.u.bf16.f32 v46;
	v38 =	vld.idx.msk [tilespmem:v38+s21+$0x0], $0xffff;
	v27 =	vmul.bf16 v27, v17;
	[tilespmem:s5+$0xFFFFFF20] =	vst v48  }
0x118: {  	v11 =	vld.idx.msk [tilespmem:v11+s3+$0x0], $0xffff;
	v23 =	vor.u32 v2, v32;
	v32 =	vmul.bf16 v52, v22;
	[tilespmem:s5+$0xFFFFFF30] =	vst v30;
	v39 =	vunpack.i.u.bf16.f32 v37  }
0x119: {  	v26 =	vor.u32 v4, v26;
	v30 =	vunpack.i.l.bf16.f32 v27;
	[tilespmem:s5+$0xFFFFFEB0] =	vst v39;
	v12 =	vmul.bf16 v16, v6;
	v16 =	vld.idx.msk [tilespmem:v14+s21+$0x0], $0xffff  }
0x11a: {  	v36 =	vand.u32 $0x5F, v54;
	v62 =	vmul.bf16 v33, v22;
	[tilespmem:s5+$0xFFFFFF40] =	vst v30;
	v14 =	vld.idx.msk [tilespmem:v29+s21+$0x0], $0xffff;
	v29 =	vunpack.i.l.bf16.f32 v32  }
0x11b: {  	v58 =	vor.u32 v1, v28;
	v25 =	vld.idx.msk [tilespmem:v25+s21+$0x0], $0xffff;
	v23 =	vand.u32 $0x5F, v23;
	[tilespmem:s5+$0xFFFFFE80] =	vst v29;
	v29 =	vunpack.i.l.bf16.f32 v37  }
0x11c: {  	v23 =	vor.u32 v23, v41;
	v22 =	vmul.bf16 v59, v22;
	[tilespmem:s5+$0xFFFFFEA0] =	vst v29;
	v29 =	vunpack.i.l.bf16.f32 v62  }
0x11d: {  	v60 =	vor.u32 v2, v28;
	v27 =	vunpack.i.u.bf16.f32 v27;
	[tilespmem:s5+$0xFFFFFEC0] =	vst v29;
	v29 =	vor.u32 v36, v34  }
0x11e: {  	v31 =	vand.u32 $0x6F, v31;
	v45 =	vunpack.i.l.bf16.f32 v22;
	[tilespmem:s5+$0xFFFFFF50] =	vst v27;
	v44 =	vmul.bf16 v38, v17  }
0x11f: {  	v26 =	vand.u32 $0x7F, v26;
	v31 =	vor.u32 v31, v34;
	v22 =	vunpack.i.u.bf16.f32 v22;
	[tilespmem:s5+$0xFFFFFEE0] =	vst v45  }
0x120: {  	v49 =	vand.u32 $0xFFFFFF80, v20;
	v25 =	vmul.bf16 v25, v11;
	[tilespmem:s5+$0xFFFFFEF0] =	vst v22;
	v22 =	vunpack.i.l.bf16.f32 v44  }
0x121: {  	v15 =	vld.idx.msk [tilespmem:v23+s21+$0x0], $0xffff;
	v17 =	vmul.bf16 v24, v17;
	v32 =	vunpack.i.u.bf16.f32 v32;
	[tilespmem:s5+$0xFFFFFF00] =	vst v22;
	v22 =	vor.u32 v26, v34  }
0x122: {  	v23 =	vor.u32 v3, v28;
	v47 =	vunpack.i.u.bf16.f32 v44;
	[tilespmem:s5+$0xFFFFFE90] =	vst v32;
	v26 =	vand.u32 $0x4F, v58;
	v29 =	vld.idx.msk [tilespmem:v29+s21+$0x0], $0xffff  }
0x123: {  	v23 =	vand.u32 $0x6F, v23;
	v27 =	vunpack.i.l.bf16.f32 v17;
	[tilespmem:s5+$0xFFFFFF10] =	vst v47;
	v26 =	vor.u32 v26, v21  }
0x124: {  	v31 =	vld.idx.msk [tilespmem:v31+s21+$0x0], $0xffff;
	v24 =	vand.u32 $0x5F, v60;
	v23 =	vor.u32 v23, v21;
	v17 =	vunpack.i.u.bf16.f32 v17;
	[tilespmem:s5+$0xFFFFFF60] =	vst v27  }
0x125: {  	v28 =	vor.u32 v4, v28;
	v24 =	vor.u32 v24, v21;
	v32 =	vunpack.i.u.bf16.f32 v62;
	[tilespmem:s5+$0xFFFFFF70] =	vst v17  }
0x126: {  	v19 =	vadd.s32 v19, v49;
	v28 =	vand.u32 $0x7F, v28;
	v17 =	vunpack.i.l.bf16.f32 v25;
	[tilespmem:s5+$0xFFFFFED0] =	vst v32;
	v22 =	vld.idx.msk [tilespmem:v22+s21+$0x0], $0xffff  }
0x127: {  	v10 =	vld.idx.msk [tilespmem:v10+s3+$0x0], $0xffff;
	v61 =	vunpack.i.u.bf16.f32 v12;
	[tilespmem:s5+$0xFFFFFF80] =	vst v17;
	v17 =	vor.u32 v28, v21;
	v29 =	vmul.bf16 v29, v11  }
0x128: {  	v43 =	vor.u32 v1, v20;
	v30 =	vor.u32 v2, v20;
	v25 =	vunpack.i.u.bf16.f32 v25;
	[tilespmem:s5+$0x1F0] =	vst v61;
	v26 =	vld.idx.msk [tilespmem:v26+s21+$0x0], $0xffff  }
0x129: {  	v23 =	vld.idx.msk [tilespmem:v23+s21+$0x0], $0xffff;
	v21 =	vand.u32 $0x4F, v43;
	[tilespmem:s5+$0xFFFFFF90] =	vst v25;
	v28 =	vmul.bf16 v31, v11;
	v25 =	vunpack.i.l.bf16.f32 v29  }
0x12a: {  	v27 =	vor.u32 v3, v20;
	v24 =	vld.idx.msk [tilespmem:v24+s21+$0x0], $0xffff;
	v21 =	vor.u32 v21, v19;
	v29 =	vunpack.i.u.bf16.f32 v29;
	[tilespmem:s5+$0xFFFFFFA0] =	vst v25  }
0x12b: {  	v20 =	vor.u32 v4, v20;
	v11 =	vmul.bf16 v22, v11;
	[tilespmem:s5+$0xFFFFFFB0] =	vst v29;
	v25 =	vunpack.i.l.bf16.f32 v28  }
0x12c: {  	v27 =	vand.u32 $0x6F, v27;
	v22 =	vand.u32 $0x5F, v30;
	v17 =	vld.idx.msk [tilespmem:v17+s21+$0x0], $0xffff;
	v28 =	vunpack.i.u.bf16.f32 v28;
	[tilespmem:s5+$0xFFFFFFC0] =	vst v25  }
0x12d: {  	v26 =	vmul.bf16 v26, v10;
	v22 =	vor.u32 v22, v19;
	[tilespmem:s5+$0xFFFFFFD0] =	vst v28;
	v28 =	vunpack.i.l.bf16.f32 v11  }
0x12e: {  	v9 =	vld.idx.msk [tilespmem:v9+s3+$0x0], $0xffff;
	v20 =	vand.u32 $0x7F, v20;
	v27 =	vor.u32 v27, v19;
	v11 =	vunpack.i.u.bf16.f32 v11;
	[tilespmem:s5+$0xFFFFFFE0] =	vst v28  }
0x12f: {  	v23 =	vmul.bf16 v23, v10;
	v24 =	vmul.bf16 v24, v10;
	v21 =	vld.idx.msk [tilespmem:v21+s21+$0x0], $0xffff;
	[tilespmem:s5+$0xFFFFFFF0] =	vst v11;
	v11 =	vunpack.i.l.bf16.f32 v26  }
0x130: {  	v25 =	vor.u32 v1, v13;
	v28 =	vand.u32 $0xFFFFFF80, v13;
	v26 =	vunpack.i.u.bf16.f32 v26;
	[tilespmem:s5+$0x0] =	vst v11  }
0x131: {  	v10 =	vmul.bf16 v17, v10;
	v11 =	vor.u32 v20, v19;
	[tilespmem:s5+$0x10] =	vst v26;
	v20 =	vunpack.i.l.bf16.f32 v24  }
0x132: {  	v19 =	vand.u32 $0x4F, v25;
	v18 =	vadd.s32 v18, v28;
	v22 =	vld.idx.msk [tilespmem:v22+s21+$0x0], $0xffff;
	v24 =	vunpack.i.u.bf16.f32 v24;
	[tilespmem:s5+$0x20] =	vst v20  }
0x133: {  	v19 =	vor.u32 v19, v18;
	v20 =	vor.u32 v2, v13;
	[tilespmem:s5+$0x30] =	vst v24;
	v24 =	vunpack.i.l.bf16.f32 v23  }
0x134: {  	v21 =	vmul.bf16 v21, v9;
	v23 =	vunpack.i.u.bf16.f32 v23;
	v17 =	vand.u32 $0x5F, v20;
	v20 =	vld.idx.msk [tilespmem:v27+s21+$0x0], $0xffff;
	[tilespmem:s5+$0x40] =	vst v24  }
0x135: {  	v8 =	vld.idx.msk [tilespmem:v8+s3+$0x0], $0xffff;
	v24 =	vor.u32 v3, v13;
	[tilespmem:s5+$0x50] =	vst v23;
	v23 =	vunpack.i.l.bf16.f32 v10;
	v17 =	vor.u32 v17, v18  }
0x136: {  	v10 =	vunpack.i.u.bf16.f32 v10;
	v13 =	vor.u32 v4, v13;
	v24 =	vand.u32 $0x6F, v24;
	[tilespmem:s5+$0x60] =	vst v23;
	v11 =	vld.idx.msk [tilespmem:v11+s21+$0x0], $0xffff  }
0x137: {  	v7 =	vld.idx.msk [tilespmem:v7+s3+$0x0], $0xffff;
	[tilespmem:s5+$0x70] =	vst v10;
	v10 =	vunpack.i.l.bf16.f32 v21;
	v23 =	vor.u32 v24, v18;
	v22 =	vmul.bf16 v22, v9  }
0x138: {  	v13 =	vand.u32 $0x7F, v13;
	v21 =	vunpack.i.u.bf16.f32 v21;
	[tilespmem:s5+$0x80] =	vst v10;
	v19 =	vld.idx.msk [tilespmem:v19+s21+$0x0], $0xffff  }
0x139: {  	v10 =	vor.u32 v13, v18;
	[tilespmem:s5+$0x90] =	vst v21;
	v13 =	vunpack.i.l.bf16.f32 v22;
	v18 =	vmul.bf16 v20, v9  }
0x13a: {  	v20 =	vunpack.i.u.bf16.f32 v22;
	v17 =	vld.idx.msk [tilespmem:v17+s21+$0x0], $0xffff;
	[tilespmem:s5+$0xA0] =	vst v13  }
0x13b: {  	[tilespmem:s5+$0xB0] =	vst v20;
	v13 =	vunpack.i.l.bf16.f32 v18;
	v9 =	vmul.bf16 v11, v9  }
0x13c: {  	v18 =	vunpack.i.u.bf16.f32 v18;
	v11 =	vld.idx.msk [tilespmem:v23+s21+$0x0], $0xffff;
	[tilespmem:s5+$0xC0] =	vst v13  }
0x13d: {  	v7 =	vshll.u32 v7, $0x6;
	[tilespmem:s5+$0xD0] =	vst v18;
	v19 =	vmul.bf16 v19, v8;
	v18 =	vunpack.i.l.bf16.f32 v9  }
0x13e: {  	v20 =	vand.u32 $0xFFFFFF80, v7;
	v13 =	vor.u32 $0x180, v5;
	v10 =	vld.idx.msk [tilespmem:v10+s21+$0x0], $0xffff;
	v9 =	vunpack.i.u.bf16.f32 v9;
	[tilespmem:s5+$0xE0] =	vst v18  }
0x13f: {  	v5 =	vshll.u32 v5, $0x7;
	[tilespmem:s5+$0xF0] =	vst v9;
	v9 =	vunpack.i.l.bf16.f32 v19;
	v17 =	vmul.bf16 v17, v8  }
0x140: {  	v5 =	vadd.s32 v5, v20;
	v18 =	vor.u32 v1, v7;
	v19 =	vunpack.i.u.bf16.f32 v19;
	[tilespmem:s5+$0x100] =	vst v9  }
0x141: {  	v18 =	vand.u32 $0x4F, v18;
	[tilespmem:s5+$0x110] =	vst v19;
	v9 =	vunpack.i.l.bf16.f32 v17;
	v11 =	vmul.bf16 v11, v8  }
0x142: {  	v19 =	vor.u32 v2, v7;
	v18 =	vor.u32 v18, v5;
	v17 =	vunpack.i.u.bf16.f32 v17;
	[tilespmem:s5+$0x120] =	vst v9  }
0x143: {  	v8 =	vmul.bf16 v10, v8;
	v9 =	vand.u32 $0x5F, v19;
	[tilespmem:s5+$0x130] =	vst v17;
	v17 =	vunpack.i.l.bf16.f32 v11  }
0x144: {  	v10 =	vor.u32 v3, v7;
	v9 =	vor.u32 v9, v5;
	v11 =	vunpack.i.u.bf16.f32 v11;
	[tilespmem:s5+$0x140] =	vst v17  }
0x145: {  	v16 =	vmul.bf16 v16, v6;
	v10 =	vand.u32 $0x6F, v10;
	[tilespmem:s5+$0x150] =	vst v11;
	v11 =	vunpack.i.l.bf16.f32 v8  }
0x146: {  	v13 =	vld.idx.msk [tilespmem:v13+s3+$0x0], $0xffff;
	v7 =	vor.u32 v4, v7;
	v10 =	vor.u32 v10, v5;
	v8 =	vunpack.i.u.bf16.f32 v8;
	[tilespmem:s5+$0x160] =	vst v11  }
0x147: {  	v7 =	vand.u32 $0x7F, v7;
	v11 =	vmul.bf16 v15, v6;
	v15 =	vunpack.i.l.bf16.f32 v16;
	[tilespmem:s5+$0x170] =	vst v8;
	v17 =	vld.idx.msk [tilespmem:v18+s21+$0x0], $0xffff  }
0x148: {  	v5 =	vor.u32 v7, v5;
	v8 =	vunpack.i.u.bf16.f32 v16;
	[tilespmem:s5+$0x180] =	vst v15  }
0x149: {  	v6 =	vmul.bf16 v14, v6;
	[tilespmem:s5+$0x190] =	vst v8;
	v7 =	vunpack.i.l.bf16.f32 v11;
	v9 =	vld.idx.msk [tilespmem:v9+s21+$0x0], $0xffff  }
0x14a: {  	v8 =	vunpack.i.u.bf16.f32 v11;
	[tilespmem:s5+$0x1A0] =	vst v7  }
0x14b: {  	v7 =	vunpack.i.l.bf16.f32 v6;
	v10 =	vld.idx.msk [tilespmem:v10+s21+$0x0], $0xffff;
	[tilespmem:s5+$0x1B0] =	vst v8  }
0x14c: {  	v6 =	vunpack.i.u.bf16.f32 v6;
	[tilespmem:s5+$0x1C0] =	vst v7;
	v8 =	vmul.bf16 v17, v13  }
0x14d: {  	v5 =	vld.idx.msk [tilespmem:v5+s21+$0x0], $0xffff;
	v7 =	vunpack.i.l.bf16.f32 v12;
	[tilespmem:s5+$0x1D0] =	vst v6  }
0x14e: {  	[tilespmem:s5+$0x1E0] =	vst v7;
	v6 =	vunpack.i.l.bf16.f32 v8;
	v9 =	vmul.bf16 v9, v13  }
0x14f: {  	v7 =	vunpack.i.u.bf16.f32 v8;
	[tilespmem:s5+$0xFFFFFE00] =	vst v6  }
0x150: {  	[tilespmem:s5+$0xFFFFFE10] =	vst v7;
	v7 =	vmul.bf16 v10, v13;
	v6 =	vunpack.i.l.bf16.f32 v9  }
0x151: {  	v8 =	vunpack.i.u.bf16.f32 v9;
	[tilespmem:s5+$0xFFFFFE20] =	vst v6  }
0x152: {  	v5 =	vmul.bf16 v5, v13;
	[tilespmem:s5+$0xFFFFFE30] =	vst v8;
	v6 =	vunpack.i.l.bf16.f32 v7  }
0x153: {  	v7 =	vunpack.i.u.bf16.f32 v7;
	[tilespmem:s5+$0xFFFFFE40] =	vst v6  }
0x154: {  	[tilespmem:s5+$0xFFFFFE50] =	vst v7;
	v6 =	vunpack.i.l.bf16.f32 v5  }
0x155: {  	p1 =	seq.s32 s10, $0x4F;
	v5 =	vunpack.i.u.bf16.f32 v5;
	[tilespmem:s5+$0xFFFFFE60] =	vst v6  }
0x156: {  	[tilespmem:s5+$0xFFFFFE70] =	vst v5;
	s5 =	simm.s32 @p1 $0x2  }
0x157: {  	[spmem:s2] =	stream.indirect.scatter.add.f32 [tilespmem:s21], [sflag:$0x3], $0x80, s3, s24, $0xb8;
	[tilespmem:$0x1BCC0] =	vst v63  }
0x158: {  	_ =	swait.ge @p1 [sflag:s5], $0x4000  }
0x159: {  	[sflag:s5] =	ssyncset.done @p1 $0x0  }
0x15a: {  	[sflag:s5] =	ssyncadd.s32 @p1 $0xFFFFC000;
	s5 =	simm.s32 @p1 $0x3  }
0x15b: {  	s14 =	sadd.s32 @!p1 s9, s11;
	_ =	swait.ge @p1 [sflag:s5], $0x4000  }
0x15c: {  	s14 =	sshrl.u32 @!p1 s14, $0x3;
	[sflag:s5] =	ssyncset.done @p1 $0x0  }
0x15d: {  	[sflag:s5] =	ssyncadd.s32 @p1 $0xFFFFC000;
	s5 =	sadd.s32 @!p1 s4, s14;
	s14 =	simm.s32 @!p1 $0x0  }
0x15e: {  	[tilespmem:s14], [sflag:$0x5] =	stream.linear.gather @!p1 [hbm4b:s5+s14], $0x200, $0x38;
	[tilespmem:$0x1BCC0] =	vst v63  }
0x15f: {  	s5 =	simm.s32 @!p1 $0x2  }
0x160: {  	_ =	swait.ge @!p1 [sflag:s5], $0x4000  }
0x161: {  	[sflag:s5] =	ssyncset.done @!p1 $0x0  }
0x162: {  	[sflag:s5] =	ssyncadd.s32 @!p1 $0xFFFFC000;
	s5 =	simm.s32 @!p1 $0x3  }
0x163: {  	s15 =	simm.s32 $0x1;
	_ =	swait.ge @!p1 [sflag:s5], $0x4000  }
0x164: {  	v6 =	vmov s15;
	s15 =	simm.s32 $0x2;
	[sflag:s5] =	ssyncset.done @!p1 $0x0  }
0x165: {  	v8 =	vmov s15;
	s15 =	simm.s32 $0x3;
	v5 =	vor.u32 $0x100, v6;
	[sflag:s5] =	ssyncadd.s32 @!p1 $0xFFFFC000;
	s5 =	simm.s32 @!p1 $0x5  }
0x166: {  	v9 =	vmov s15;
	v7 =	vor.u32 $0x100, v8;
	s15 =	simm.s32 $0x4;
	_ =	swait.ge @!p1 [sflag:s5], $0x200  }
0x167: {  	v10 =	vor.u32 $0x100, v9;
	v11 =	vmov s15;
	[sflag:s5] =	ssyncset.done @!p1 $0x0  }
0x168: {  	s15 =	simm.s32 @!p1 $0x400;
	v12 =	vor.u32 $0x100, v11;
	s14 =	simm.s32 @!p1 $0x80;
	[sflag:s5] =	ssyncadd.s32 @!p1 $0xFFFFFE00  }
0x169: {  	[tilespmem:s15], [sflag:$0x1] =	stream.indirect.gather @!p1 [spmem:s1], $0x80, s14, s14, $0xb8;
	[tilespmem:$0x1BCC0] =	vst v63  }
0x16a: {  	v22 =	vor.u32 $0x180, v6;
	v6 =	vshll.u32 v6, $0x7;
	s5 =	simm.s32 $0x5;
	v17 =	vld.idx.msk [tilespmem:v5+s22+$0x0], $0xffff  }
0x16b: {  	v25 =	vor.u32 $0x180, v8;
	v28 =	vshll.u32 v8, $0x7;
	v13 =	vmov s5;
	s5 =	simm.s32 $0x6;
	v21 =	vld.idx.msk [tilespmem:v7+s22+$0x0], $0xffff  }
0x16c: {  	v20 =	vor.u32 $0x180, v9;
	v29 =	vshll.u32 v9, $0x7;
	v15 =	vmov s5;
	v10 =	vld.idx.msk [tilespmem:v10+s22+$0x0], $0xffff  }
0x16d: {  	v18 =	vor.u32 $0x180, v11;
	v19 =	vshll.u32 v11, $0x7;
	s15 =	simm.s32 $0x0;
	s14 =	simm.s32 $0x7;
	v23 =	vld.idx.msk [tilespmem:v12+s22+$0x0], $0xffff;
	v16 =	vor.u32 $0x100, v15  }
0x16e: {  	v14 =	vor.u32 $0x100, v13;
	v5 =	vmov s15;
	v24 =	vmov s14  }
0x16f: {  	v12 =	vor.u32 $0x180, v13;
	v7 =	vor.u32 $0x100, v5;
	v26 =	vor.u32 $0x100, v24  }
0x170: {  	v8 =	vor.u32 $0x180, v15;
	v11 =	vshll.u32 v15, $0x7;
	v57 =	vshll.u32 v24, $0x7  }
0x171: {  	v24 =	vor.u32 $0x180, v24;
	v15 =	vshll.u32 v21, $0x6;
	v10 =	vshll.u32 v10, $0x6  }
0x172: {  	v21 =	vshll.u32 v23, $0x6;
	v27 =	vld.idx.msk [tilespmem:v16+s22+$0x0], $0xffff;
	v16 =	vshll.u32 v13, $0x7;
	v13 =	vshll.u32 v17, $0x6  }
0x173: {  	v14 =	vld.idx.msk [tilespmem:v14+s22+$0x0], $0xffff;
	v31 =	vor.u32 v1, v15;
	v50 =	vand.u32 $0xFFFFFF80, v15;
	v51 =	vor.u32 v2, v15  }
0x174: {  	v52 =	vor.u32 v3, v15;
	v15 =	vor.u32 v4, v15;
	v53 =	vor.u32 v1, v10  }
0x175: {  	v54 =	vand.u32 $0xFFFFFF80, v10;
	v55 =	vor.u32 v2, v10;
	v38 =	vor.u32 v3, v10  }
0x176: {  	v10 =	vor.u32 v4, v10;
	v60 =	vor.u32 v1, v21;
	v63 =	vand.u32 $0xFFFFFF80, v21  }
0x177: {  	v48 =	vor.u32 v2, v21;
	v49 =	vor.u32 v3, v21;
	v21 =	vor.u32 v4, v21  }
0x178: {  	v23 =	vor.u32 v1, v13;
	v17 =	vshll.u32 v14, $0x6;
	v14 =	vld.idx.msk [tilespmem:v26+s22+$0x0], $0xffff;
	v26 =	vand.u32 $0xFFFFFF80, v13  }
0x179: {  	v30 =	vor.u32 v3, v13;
	v23 =	vand.u32 $0x4F, v23;
	v6 =	vadd.s32 v6, v26  }
0x17a: {  	v9 =	vshll.u32 v27, $0x6;
	v27 =	vor.u32 v2, v13;
	v23 =	vor.u32 v23, v6  }
0x17b: {  	v31 =	vand.u32 $0x4F, v31;
	v28 =	vadd.s32 v28, v50;
	v27 =	vand.u32 $0x5F, v27  }
0x17c: {  	v33 =	vand.u32 $0x5F, v51;
	v15 =	vand.u32 $0x7F, v15;
	v27 =	vor.u32 v27, v6  }
0x17d: {  	v29 =	vadd.s32 v29, v54;
	v30 =	vand.u32 $0x6F, v30;
	v31 =	vor.u32 v31, v28  }
0x17e: {  	v22 =	vld.idx.msk [tilespmem:v22+s22+$0x0], $0xffff;
	v13 =	vor.u32 v4, v13;
	v30 =	vor.u32 v30, v6;
	v14 =	vshll.u32 v14, $0x6  }
0x17f: {  	v13 =	vand.u32 $0x7F, v13;
	v56 =	vand.u32 $0xFFFFFF80, v14;
	v58 =	vor.u32 v4, v14;
	v23 =	vld.idx.msk [tilespmem:v23+s29+$0x0], $0xffff  }
0x180: {  	v25 =	vld.idx.msk [tilespmem:v25+s22+$0x0], $0xffff;
	v6 =	vor.u32 v13, v6;
	v39 =	vadd.s32 v57, v56;
	v59 =	vand.u32 $0x7F, v58  }
0x181: {  	v54 =	vand.u32 $0x5F, v55;
	v19 =	vadd.s32 v19, v63;
	v26 =	vor.u32 v59, v39;
	v27 =	vld.idx.msk [tilespmem:v27+s29+$0x0], $0xffff  }
0x182: {  	v24 =	vld.idx.msk [tilespmem:v24+s22+$0x0], $0xffff;
	v33 =	vor.u32 v33, v28;
	v61 =	vor.u32 v1, v14;
	v62 =	vor.u32 v2, v14  }
0x183: {  	v14 =	vor.u32 v3, v14;
	v13 =	vand.u32 $0x4F, v61;
	v41 =	vand.u32 $0x5F, v62;
	v30 =	vld.idx.msk [tilespmem:v30+s29+$0x0], $0xffff  }
0x184: {  	v31 =	vld.idx.msk [tilespmem:v31+s29+$0x0], $0xffff;
	v14 =	vand.u32 $0x6F, v14;
	v13 =	vor.u32 v13, v39;
	v23 =	vmul.bf16 v23, v22  }
0x185: {  	v41 =	vor.u32 v41, v39;
	v14 =	vor.u32 v14, v39;
	v50 =	vld.idx.msk [tilespmem:v6+s29+$0x0], $0xffff;
	v6 =	vand.u32 $0x6F, v52  }
0x186: {  	s14 =	simm.s32 $0x4600;
	v56 =	vor.u32 v6, v28;
	v26 =	vld.idx.msk [tilespmem:v26+s29+$0x0], $0xffff;
	v27 =	vmul.bf16 v27, v22;
	v6 =	vunpack.i.l.bf16.f32 v23  }
0x187: {  	v7 =	vld.idx.msk [tilespmem:v7+s22+$0x0], $0xffff;
	v21 =	vand.u32 $0x7F, v21;
	v58 =	vand.u32 $0x7F, v10;
	v10 =	vunpack.i.u.bf16.f32 v23;
	[tilespmem:s14+$0xFFFFFE80] =	vst v6  }
0x188: {  	v33 =	vld.idx.msk [tilespmem:v33+s29+$0x0], $0xffff;
	v23 =	vor.u32 v15, v28;
	v15 =	vmul.bf16 v30, v22;
	[tilespmem:s14+$0xFFFFFE90] =	vst v10;
	v10 =	vunpack.i.l.bf16.f32 v27  }
0x189: {  	v51 =	vor.u32 v1, v17;
	v57 =	vand.u32 $0x6F, v38;
	v13 =	vld.idx.msk [tilespmem:v13+s29+$0x0], $0xffff;
	v27 =	vunpack.i.u.bf16.f32 v27;
	[tilespmem:s14+$0xFFFFFEA0] =	vst v10  }
0x18a: {  	v52 =	vand.u32 $0x4F, v53;
	v53 =	vld.idx.msk [tilespmem:v41+s29+$0x0], $0xffff;
	v22 =	vmul.bf16 v50, v22;
	[tilespmem:s14+$0xFFFFFEB0] =	vst v27;
	v10 =	vunpack.i.l.bf16.f32 v15  }
0x18b: {  	v31 =	vmul.bf16 v31, v25;
	v14 =	vld.idx.msk [tilespmem:v14+s29+$0x0], $0xffff;
	v15 =	vunpack.i.u.bf16.f32 v15;
	[tilespmem:s14+$0xFFFFFEC0] =	vst v10;
	v26 =	vmul.bf16 v26, v24  }
0x18c: {  	v28 =	vor.u32 v54, v29;
	v30 =	vld.idx.msk [tilespmem:v56+s29+$0x0], $0xffff;
	v59 =	vunpack.i.l.bf16.f32 v22;
	v22 =	vunpack.i.u.bf16.f32 v22;
	[tilespmem:s14+$0xFFFFFED0] =	vst v15  }
0x18d: {  	[tilespmem:s14+$0xFFFFFEE0] =	vst v59;
	v55 =	vunpack.i.u.bf16.f32 v26;
	v6 =	vunpack.i.l.bf16.f32 v26;
	v26 =	vor.u32 v52, v29  }
0x18e: {  	v61 =	vor.u32 v3, v17;
	[tilespmem:s14+$0xFFFFFEF0] =	vst v22;
	v22 =	vunpack.i.l.bf16.f32 v31;
	v13 =	vmul.bf16 v13, v24;
	v23 =	vld.idx.msk [tilespmem:v23+s29+$0x0], $0xffff  }
0x18f: {  	v33 =	vmul.bf16 v33, v25;
	v27 =	vor.u32 v57, v29;
	v15 =	vmul.bf16 v53, v24;
	[tilespmem:s14+$0xFFFFFF00] =	vst v22  }
0x190: {  	v20 =	vld.idx.msk [tilespmem:v20+s22+$0x0], $0xffff;
	v14 =	vmul.bf16 v14, v24;
	v10 =	vunpack.i.u.bf16.f32 v13;
	v13 =	vunpack.i.l.bf16.f32 v13;
	[tilespmem:s14+$0x1F0] =	vst v55  }
0x191: {  	v7 =	vshll.u32 v7, $0x6;
	v22 =	vor.u32 v58, v29;
	v30 =	vmul.bf16 v30, v25;
	v28 =	vld.idx.msk [tilespmem:v28+s29+$0x0], $0xffff;
	[tilespmem:s14+$0x180] =	vst v13  }
0x192: {  	v29 =	vand.u32 $0x4F, v60;
	v60 =	vand.u32 $0x6F, v49;
	[tilespmem:s14+$0x190] =	vst v10;
	v24 =	vld.idx.msk [tilespmem:v26+s29+$0x0], $0xffff;
	v26 =	vunpack.i.u.bf16.f32 v31  }
0x193: {  	v23 =	vmul.bf16 v23, v25;
	v25 =	vand.u32 $0x5F, v48;
	v31 =	vunpack.i.u.bf16.f32 v33;
	[tilespmem:s14+$0xFFFFFF10] =	vst v26  }
0x194: {  	v63 =	vunpack.i.u.bf16.f32 v14;
	v25 =	vor.u32 v25, v19;
	v26 =	vunpack.i.l.bf16.f32 v33;
	[tilespmem:s14+$0xFFFFFF30] =	vst v31  }
0x195: {  	v14 =	vunpack.i.l.bf16.f32 v14;
	v31 =	vunpack.i.l.bf16.f32 v30;
	[tilespmem:s14+$0xFFFFFF20] =	vst v26;
	v26 =	vor.u32 v29, v19  }
0x196: {  	v27 =	vld.idx.msk [tilespmem:v27+s29+$0x0], $0xffff;
	v28 =	vmul.bf16 v28, v20;
	v30 =	vunpack.i.u.bf16.f32 v30;
	v29 =	vand.u32 $0xFFFFFF80, v17;
	[tilespmem:s14+$0xFFFFFF40] =	vst v31  }
0x197: {  	v22 =	vld.idx.msk [tilespmem:v22+s29+$0x0], $0xffff;
	v31 =	vor.u32 v2, v17;
	[tilespmem:s14+$0xFFFFFF50] =	vst v30;
	v30 =	vunpack.i.l.bf16.f32 v23;
	v24 =	vmul.bf16 v24, v20  }
0x198: {  	v18 =	vld.idx.msk [tilespmem:v18+s22+$0x0], $0xffff;
	v23 =	vunpack.i.u.bf16.f32 v23;
	[tilespmem:s14+$0xFFFFFF60] =	vst v30;
	v30 =	vor.u32 v60, v19;
	v19 =	vor.u32 v21, v19  }
0x199: {  	[tilespmem:s14+$0xFFFFFF70] =	vst v23;
	v21 =	vand.u32 $0x4F, v51;
	v16 =	vadd.s32 v16, v29;
	v25 =	vld.idx.msk [tilespmem:v25+s29+$0x0], $0xffff;
	v23 =	vunpack.i.l.bf16.f32 v24  }
0x19a: {  	v17 =	vor.u32 v4, v17;
	v21 =	vor.u32 v21, v16;
	v26 =	vld.idx.msk [tilespmem:v26+s29+$0x0], $0xffff;
	v24 =	vunpack.i.u.bf16.f32 v24;
	[tilespmem:s14+$0xFFFFFF80] =	vst v23  }
0x19b: {  	v17 =	vand.u32 $0x7F, v17;
	[tilespmem:s14+$0xFFFFFF90] =	vst v24;
	v23 =	vunpack.i.l.bf16.f32 v28;
	v24 =	vmul.bf16 v27, v20  }
0x19c: {  	v12 =	vld.idx.msk [tilespmem:v12+s22+$0x0], $0xffff;
	v27 =	vunpack.i.u.bf16.f32 v28;
	v20 =	vmul.bf16 v22, v20;
	v22 =	vand.u32 $0x5F, v31;
	[tilespmem:s14+$0xFFFFFFA0] =	vst v23  }
0x19d: {  	v28 =	vand.u32 $0x6F, v61;
	[tilespmem:s14+$0xFFFFFFB0] =	vst v27;
	v27 =	vld.idx.msk [tilespmem:v30+s29+$0x0], $0xffff;
	v22 =	vor.u32 v22, v16;
	v23 =	vunpack.i.l.bf16.f32 v24  }
0x19e: {  	v19 =	vld.idx.msk [tilespmem:v19+s29+$0x0], $0xffff;
	v24 =	vunpack.i.u.bf16.f32 v24;
	v25 =	vmul.bf16 v25, v18;
	[tilespmem:s14+$0xFFFFFFC0] =	vst v23;
	v23 =	vor.u32 v1, v9  }
0x19f: {  	v21 =	vld.idx.msk [tilespmem:v21+s29+$0x0], $0xffff;
	[tilespmem:s14+$0xFFFFFFD0] =	vst v24;
	v24 =	vunpack.i.l.bf16.f32 v20;
	v20 =	vunpack.i.u.bf16.f32 v20;
	v26 =	vmul.bf16 v26, v18  }
0x1a0: {  	[tilespmem:s14+$0xFFFFFFE0] =	vst v24;
	v24 =	vor.u32 v28, v16;
	v28 =	vand.u32 $0xFFFFFF80, v9;
	v16 =	vor.u32 v17, v16  }
0x1a1: {  	[tilespmem:s14+$0xFFFFFFF0] =	vst v20;
	v17 =	vand.u32 $0x4F, v23;
	v11 =	vadd.s32 v11, v28;
	v20 =	vunpack.i.l.bf16.f32 v26  }
0x1a2: {  	v26 =	vunpack.i.u.bf16.f32 v26;
	v23 =	vmul.bf16 v27, v18;
	[tilespmem:s14+$0x0] =	vst v20;
	v20 =	vunpack.i.l.bf16.f32 v25  }
0x1a3: {  	v22 =	vld.idx.msk [tilespmem:v22+s29+$0x0], $0xffff;
	v17 =	vor.u32 v17, v11;
	v18 =	vmul.bf16 v19, v18;
	v25 =	vunpack.i.u.bf16.f32 v25;
	[tilespmem:s14+$0x20] =	vst v20  }
0x1a4: {  	v21 =	vmul.bf16 v21, v12;
	v20 =	vor.u32 v2, v9;
	[tilespmem:s14+$0x30] =	vst v25;
	v25 =	vunpack.i.l.bf16.f32 v23  }
0x1a5: {  	[tilespmem:s14+$0x10] =	vst v26;
	v23 =	vunpack.i.u.bf16.f32 v23;
	v19 =	vand.u32 $0x5F, v20;
	v20 =	vld.idx.msk [tilespmem:v24+s29+$0x0], $0xffff;
	v24 =	vor.u32 v3, v9  }
0x1a6: {  	[tilespmem:s14+$0x50] =	vst v23;
	v23 =	vunpack.i.l.bf16.f32 v18;
	v18 =	vunpack.i.u.bf16.f32 v18;
	v9 =	vor.u32 v4, v9  }
0x1a7: {  	v16 =	vld.idx.msk [tilespmem:v16+s29+$0x0], $0xffff;
	v19 =	vor.u32 v19, v11;
	v24 =	vand.u32 $0x6F, v24;
	[tilespmem:s14+$0x70] =	vst v18;
	v18 =	vunpack.i.l.bf16.f32 v21  }
0x1a8: {  	s15 =	simm.s32 $0x9;
	v8 =	vld.idx.msk [tilespmem:v8+s22+$0x0], $0xffff;
	[tilespmem:s14+$0x60] =	vst v23;
	v9 =	vand.u32 $0x7F, v9;
	v23 =	vor.u32 v24, v11;
	v22 =	vmul.bf16 v22, v12  }
0x1a9: {  	v28 =	vmov s15;
	s15 =	simm.s32 $0xA;
	v21 =	vunpack.i.u.bf16.f32 v21;
	v17 =	vld.idx.msk [tilespmem:v17+s29+$0x0], $0xffff;
	[tilespmem:s14+$0x80] =	vst v18;
	v9 =	vor.u32 v9, v11  }
0x1aa: {  	v62 =	vmov s15;
	[tilespmem:s14+$0x90] =	vst v21;
	v18 =	vunpack.i.l.bf16.f32 v22;
	v20 =	vmul.bf16 v20, v12  }
0x1ab: {  	s15 =	simm.s32 $0xB;
	v11 =	vor.u32 $0x180, v5;
	v5 =	vshll.u32 v5, $0x7;
	v21 =	vunpack.i.u.bf16.f32 v22;
	[tilespmem:s14+$0xA0] =	vst v18  }
0x1ac: {  	[tilespmem:s14+$0xB0] =	vst v21;
	v16 =	vmul.bf16 v16, v12;
	v12 =	vmov s15;
	v19 =	vld.idx.msk [tilespmem:v19+s29+$0x0], $0xffff;
	v18 =	vunpack.i.l.bf16.f32 v20  }
0x1ad: {  	v22 =	vor.u32 $0x100, v28;
	v26 =	vor.u32 $0x100, v12;
	v21 =	vld.idx.msk [tilespmem:v23+s29+$0x0], $0xffff;
	v20 =	vunpack.i.u.bf16.f32 v20;
	[tilespmem:s14+$0xC0] =	vst v18  }
0x1ae: {  	v17 =	vmul.bf16 v17, v8;
	v9 =	vld.idx.msk [tilespmem:v9+s29+$0x0], $0xffff;
	v23 =	vand.u32 $0xFFFFFF80, v7;
	[tilespmem:s14+$0xD0] =	vst v20;
	v18 =	vunpack.i.l.bf16.f32 v16  }
0x1af: {  	v20 =	vor.u32 v1, v7;
	v16 =	vunpack.i.u.bf16.f32 v16;
	v5 =	vadd.s32 v5, v23;
	[tilespmem:s14+$0xE0] =	vst v18  }
0x1b0: {  	v18 =	vor.u32 v2, v7;
	[tilespmem:s14+$0xF0] =	vst v16;
	v16 =	vunpack.i.l.bf16.f32 v17;
	v20 =	vand.u32 $0x4F, v20  }
0x1b1: {  	v17 =	vunpack.i.u.bf16.f32 v17;
	[tilespmem:s14+$0x100] =	vst v16;
	v16 =	vor.u32 v20, v5;
	v19 =	vmul.bf16 v19, v8  }
0x1b2: {  	[tilespmem:s14+$0x1C0] =	vst v14;
	v18 =	vand.u32 $0x5F, v18;
	v20 =	vmul.bf16 v21, v8;
	v21 =	vor.u32 v3, v7  }
0x1b3: {  	[tilespmem:s14+$0x110] =	vst v17;
	v8 =	vmul.bf16 v9, v8;
	v9 =	vor.u32 $0x100, v62;
	v17 =	vunpack.i.l.bf16.f32 v19  }
0x1b4: {  	v7 =	vor.u32 v4, v7;
	v19 =	vunpack.i.u.bf16.f32 v19;
	[tilespmem:s14+$0x120] =	vst v17;
	v17 =	vor.u32 v18, v5  }
0x1b5: {  	v23 =	vld.idx.msk [tilespmem:v22+s22+$0x0], $0xffff;
	v7 =	vand.u32 $0x7F, v7;
	[tilespmem:s14+$0x130] =	vst v19;
	v18 =	vunpack.i.l.bf16.f32 v20;
	v19 =	vand.u32 $0x6F, v21  }
0x1b6: {  	[tilespmem:s14+$0x40] =	vst v25;
	s15 =	simm.s32 $0xC;
	v21 =	vunpack.i.u.bf16.f32 v20;
	v20 =	vld.idx.msk [tilespmem:v11+s22+$0x0], $0xffff;
	v31 =	vor.u32 v7, v5;
	v11 =	vor.u32 v19, v5  }
0x1b7: {  	s5 =	simm.s32 $0xD;
	[tilespmem:s14+$0x140] =	vst v18;
	v18 =	vunpack.i.l.bf16.f32 v8;
	v16 =	vld.idx.msk [tilespmem:v16+s29+$0x0], $0xffff;
	v8 =	vunpack.i.u.bf16.f32 v8;
	v19 =	vmov s15  }
0x1b8: {  	v27 =	vunpack.i.u.bf16.f32 v15;
	v25 =	vmov s5;
	s5 =	simm.s32 $0xE;
	v26 =	vld.idx.msk [tilespmem:v26+s22+$0x0], $0xffff;
	[tilespmem:s14+$0x170] =	vst v8;
	v8 =	vor.u32 $0x100, v19  }
0x1b9: {  	v15 =	vunpack.i.l.bf16.f32 v15;
	v13 =	vmov s5;
	v30 =	vor.u32 $0x100, v25;
	[tilespmem:s14+$0x150] =	vst v21;
	s15 =	simm.s32 $0x8;
	v21 =	vld.idx.msk [tilespmem:v17+s29+$0x0], $0xffff  }
0x1ba: {  	[tilespmem:s14+$0x1A0] =	vst v15;
	v15 =	vshll.u32 v62, $0x7;
	v29 =	vor.u32 $0x100, v13;
	v5 =	vmov s15;
	v24 =	vld.idx.msk [tilespmem:v9+s22+$0x0], $0xffff  }
0x1bb: {  	v22 =	vor.u32 $0x180, v28;
	[tilespmem:s14+$0x160] =	vst v18;
	v10 =	vor.u32 $0x180, v19;
	v7 =	vor.u32 $0x100, v5;
	v18 =	vld.idx.msk [tilespmem:v11+s29+$0x0], $0xffff  }
0x1bc: {  	[tilespmem:s14+$0x1B0] =	vst v27;
	v9 =	vor.u32 $0x180, v25;
	v17 =	vor.u32 $0x180, v62;
	v27 =	vld.idx.msk [tilespmem:v31+s29+$0x0], $0xffff;
	v31 =	vmul.bf16 v16, v20  }
0x1bd: {  	s10 =	sadd.s32 $0x1, s10;
	[tilespmem:s14+$0x1D0] =	vst v63;
	s5 =	simm.s32 $0x10;
	s15 =	simm.s32 $0xF;
	v11 =	vor.u32 $0x180, v12;
	v16 =	vshll.u32 v28, $0x7;
	v28 =	vld.idx.msk [tilespmem:v8+s22+$0x0], $0xffff;
	v8 =	vor.u32 $0x180, v13  }
.LBB2_11:
0x1be: {  	p2 =	slt.u32 s5, $0x78;
	v14 =	vld.idx.msk [tilespmem:v30+s22+$0x0], $0xffff;
	v30 =	vmov s15;
	v32 =	vunpack.i.l.bf16.f32 v31;
	v33 =	vmul.bf16 v21, v20;
	[tilespmem:s14+$0x1E0] =	vst v6  }
0x1bf: {  	v6 =	vshll.u32 v12, $0x7;
	v31 =	vunpack.i.u.bf16.f32 v31;
	v12 =	vld.idx.msk [tilespmem:v29+s22+$0x0], $0xffff;
	v29 =	vor.u32 $0x100, v30;
	[tilespmem:s14+$0xFFFFFE00] =	vst v32  }
0x1c0: {  	v21 =	vshll.u32 v19, $0x7;
	v18 =	vmul.bf16 v18, v20;
	[tilespmem:s14+$0xFFFFFE10] =	vst v31;
	v31 =	vunpack.i.l.bf16.f32 v33  }
0x1c1: {  	v19 =	vshll.u32 v25, $0x7;
	v13 =	vshll.u32 v13, $0x7;
	v25 =	vunpack.i.u.bf16.f32 v33;
	[tilespmem:s14+$0xFFFFFE20] =	vst v31  }
0x1c2: {  	v23 =	vshll.u32 v23, $0x6;
	v27 =	vmul.bf16 v27, v20;
	[tilespmem:s14+$0xFFFFFE30] =	vst v25;
	v25 =	vunpack.i.l.bf16.f32 v18  }
0x1c3: {  	v24 =	vshll.u32 v24, $0x6;
	v26 =	vshll.u32 v26, $0x6;
	v18 =	vunpack.i.u.bf16.f32 v18;
	[tilespmem:s14+$0xFFFFFE40] =	vst v25  }
0x1c4: {  	v25 =	vshll.u32 v28, $0x6;
	v20 =	vshll.u32 v14, $0x6;
	v14 =	vld.idx.msk [tilespmem:v29+s22+$0x0], $0xffff;
	[tilespmem:s14+$0xFFFFFE50] =	vst v18;
	v18 =	vunpack.i.l.bf16.f32 v27  }
0x1c5: {  	v28 =	vor.u32 v1, v23;
	v12 =	vshll.u32 v12, $0x6;
	v27 =	vunpack.i.u.bf16.f32 v27;
	[tilespmem:s14+$0xFFFFFE60] =	vst v18  }
0x1c6: {  	v31 =	vor.u32 v3, v23;
	v29 =	vor.u32 v2, v23;
	v18 =	vand.u32 $0xFFFFFF80, v23;
	[tilespmem:s14+$0xFFFFFE70] =	vst v27  }
0x1c7: {  	v32 =	vand.u32 $0xFFFFFF80, v24;
	v23 =	vor.u32 v4, v23;
	v27 =	vor.u32 v1, v24  }
0x1c8: {  	v34 =	vor.u32 v3, v24;
	v33 =	vor.u32 v2, v24;
	v24 =	vor.u32 v4, v24  }
0x1c9: {  	v35 =	vor.u32 v1, v26;
	v36 =	vand.u32 $0xFFFFFF80, v26;
	v37 =	vor.u32 v2, v26  }
0x1ca: {  	v38 =	vor.u32 v3, v26;
	v26 =	vor.u32 v4, v26;
	v14 =	vshll.u32 v14, $0x6  }
0x1cb: {  	v40 =	vshll.u32 v30, $0x7;
	v39 =	vand.u32 $0xFFFFFF80, v14;
	v41 =	vor.u32 v4, v14  }
0x1cc: {  	v30 =	vor.u32 $0x180, v30;
	v39 =	vadd.s32 v40, v39;
	v40 =	vand.u32 $0x7F, v41  }
0x1cd: {  	v28 =	vand.u32 $0x4F, v28;
	v16 =	vadd.s32 v16, v18;
	v18 =	vor.u32 v40, v39  }
0x1ce: {  	v29 =	vand.u32 $0x5F, v29;
	v28 =	vor.u32 v28, v16;
	v40 =	vor.u32 v1, v25  }
0x1cf: {  	v31 =	vand.u32 $0x6F, v31;
	v29 =	vor.u32 v29, v16;
	v41 =	vand.u32 $0xFFFFFF80, v25;
	v22 =	vld.idx.msk [tilespmem:v22+s22+$0x0], $0xffff  }
0x1d0: {  	v43 =	vor.u32 v2, v25;
	v23 =	vand.u32 $0x7F, v23;
	v31 =	vor.u32 v31, v16;
	v42 =	vld.idx.msk [tilespmem:v17+s22+$0x0], $0xffff  }
0x1d1: {  	v15 =	vadd.s32 v15, v32;
	v16 =	vor.u32 v23, v16;
	v17 =	vand.u32 $0x4F, v27;
	v23 =	vld.idx.msk [tilespmem:v30+s22+$0x0], $0xffff  }
0x1d2: {  	v27 =	vand.u32 $0x5F, v33;
	v17 =	vor.u32 v17, v15;
	v30 =	vor.u32 v1, v14;
	v18 =	vld.idx.msk [tilespmem:v18+s29+$0x0], $0xffff  }
0x1d3: {  	v32 =	vor.u32 v2, v14;
	v27 =	vor.u32 v27, v15;
	v30 =	vand.u32 $0x4F, v30;
	v28 =	vld.idx.msk [tilespmem:v28+s29+$0x0], $0xffff  }
0x1d4: {  	v32 =	vand.u32 $0x5F, v32;
	v14 =	vor.u32 v3, v14;
	v30 =	vor.u32 v30, v39;
	v29 =	vld.idx.msk [tilespmem:v29+s29+$0x0], $0xffff  }
0x1d5: {  	v32 =	vor.u32 v32, v39;
	v33 =	vor.u32 v3, v25;
	v14 =	vand.u32 $0x6F, v14;
	v31 =	vld.idx.msk [tilespmem:v31+s29+$0x0], $0xffff  }
0x1d6: {  	v44 =	vor.u32 v1, v20;
	v25 =	vor.u32 v4, v25;
	v14 =	vor.u32 v14, v39;
	v16 =	vld.idx.msk [tilespmem:v16+s29+$0x0], $0xffff  }
0x1d7: {  	v34 =	vand.u32 $0x6F, v34;
	v35 =	vand.u32 $0x4F, v35;
	v24 =	vand.u32 $0x7F, v24;
	v17 =	vld.idx.msk [tilespmem:v17+s29+$0x0], $0xffff  }
0x1d8: {  	v36 =	vadd.s32 v6, v36;
	v37 =	vand.u32 $0x5F, v37;
	v6 =	vmul.bf16 v18, v23;
	v27 =	vld.idx.msk [tilespmem:v27+s29+$0x0], $0xffff  }
0x1d9: {  	v26 =	vand.u32 $0x7F, v26;
	v18 =	vmul.bf16 v28, v22;
	v28 =	vand.u32 $0x6F, v38;
	v30 =	vld.idx.msk [tilespmem:v30+s29+$0x0], $0xffff  }
0x1da: {  	v34 =	vor.u32 v34, v15;
	s14 =	sadd.s32 $0x400, s14;
	v38 =	vunpack.i.u.bf16.f32 v6;
	v6 =	vunpack.i.l.bf16.f32 v6;
	v32 =	vld.idx.msk [tilespmem:v32+s29+$0x0], $0xffff  }
0x1db: {  	v15 =	vor.u32 v24, v15;
	v29 =	vmul.bf16 v29, v22;
	v39 =	vunpack.i.l.bf16.f32 v18;
	v14 =	vld.idx.msk [tilespmem:v14+s29+$0x0], $0xffff;
	[tilespmem:s14+$0x1F0] =	vst v38  }
0x1dc: {  	v24 =	vor.u32 v35, v36;
	v35 =	vor.u32 v37, v36;
	v18 =	vunpack.i.u.bf16.f32 v18;
	[tilespmem:s14+$0xFFFFFE80] =	vst v39  }
0x1dd: {  	v28 =	vor.u32 v28, v36;
	v31 =	vmul.bf16 v31, v22;
	[tilespmem:s14+$0xFFFFFE90] =	vst v18;
	v18 =	vunpack.i.l.bf16.f32 v29  }
0x1de: {  	v16 =	vmul.bf16 v16, v22;
	v22 =	vmul.bf16 v17, v42;
	v29 =	vunpack.i.u.bf16.f32 v29;
	[tilespmem:s14+$0xFFFFFEA0] =	vst v18  }
0x1df: {  	v17 =	vunpack.i.l.bf16.f32 v31;
	v27 =	vmul.bf16 v27, v42;
	v18 =	vmul.bf16 v30, v23;
	[tilespmem:s14+$0xFFFFFEB0] =	vst v29;
	v29 =	vld.idx.msk [tilespmem:v34+s29+$0x0], $0xffff  }
0x1e0: {  	v30 =	vunpack.i.u.bf16.f32 v31;
	v31 =	vunpack.i.l.bf16.f32 v16;
	v32 =	vmul.bf16 v32, v23;
	[tilespmem:s14+$0xFFFFFEC0] =	vst v17  }
0x1e1: {  	v17 =	vunpack.i.u.bf16.f32 v18;
	v18 =	vunpack.i.l.bf16.f32 v18;
	v23 =	vmul.bf16 v14, v23;
	[tilespmem:s14+$0xFFFFFED0] =	vst v30;
	v30 =	vld.idx.msk [tilespmem:v15+s29+$0x0], $0xffff  }
0x1e2: {  	v14 =	vunpack.i.u.bf16.f32 v16;
	v15 =	vunpack.i.u.bf16.f32 v32;
	[tilespmem:s14+$0xFFFFFEE0] =	vst v31;
	v31 =	vld.idx.msk [tilespmem:v11+s22+$0x0], $0xffff;
	v11 =	vunpack.i.l.bf16.f32 v32  }
0x1e3: {  	v32 =	vunpack.i.l.bf16.f32 v22;
	v16 =	vunpack.i.l.bf16.f32 v23;
	[tilespmem:s14+$0xFFFFFEF0] =	vst v14;
	v24 =	vld.idx.msk [tilespmem:v24+s29+$0x0], $0xffff;
	v14 =	vunpack.i.u.bf16.f32 v23  }
0x1e4: {  	v22 =	vunpack.i.u.bf16.f32 v22;
	v23 =	vor.u32 v26, v36;
	v26 =	vand.u32 $0x4F, v40;
	[tilespmem:s14+$0xFFFFFF00] =	vst v32  }
0x1e5: {  	v21 =	vadd.s32 v21, v41;
	v29 =	vmul.bf16 v29, v42;
	[tilespmem:s14+$0xFFFFFF10] =	vst v22;
	v22 =	vunpack.i.l.bf16.f32 v27;
	v32 =	vld.idx.msk [tilespmem:v35+s29+$0x0], $0xffff  }
0x1e6: {  	v27 =	vunpack.i.u.bf16.f32 v27;
	[tilespmem:s14+$0xFFFFFF20] =	vst v22;
	v22 =	vor.u32 v26, v21;
	v26 =	vand.u32 $0xFFFFFF80, v20  }
0x1e7: {  	v34 =	vand.u32 $0x5F, v43;
	v30 =	vmul.bf16 v30, v42;
	[tilespmem:s14+$0xFFFFFF30] =	vst v27;
	v27 =	vunpack.i.l.bf16.f32 v29;
	v28 =	vld.idx.msk [tilespmem:v28+s29+$0x0], $0xffff  }
0x1e8: {  	v29 =	vunpack.i.u.bf16.f32 v29;
	[tilespmem:s14+$0xFFFFFF40] =	vst v27;
	v27 =	vor.u32 v34, v21;
	v34 =	vor.u32 v2, v20  }
0x1e9: {  	v33 =	vand.u32 $0x6F, v33;
	v24 =	vmul.bf16 v24, v31;
	[tilespmem:s14+$0xFFFFFF50] =	vst v29;
	v29 =	vunpack.i.l.bf16.f32 v30;
	v23 =	vld.idx.msk [tilespmem:v23+s29+$0x0], $0xffff  }
0x1ea: {  	v30 =	vunpack.i.u.bf16.f32 v30;
	[tilespmem:s14+$0xFFFFFF60] =	vst v29;
	v10 =	vld.idx.msk [tilespmem:v10+s22+$0x0], $0xffff;
	v29 =	vor.u32 v33, v21;
	v33 =	vor.u32 v3, v20  }
0x1eb: {  	v25 =	vand.u32 $0x7F, v25;
	v32 =	vmul.bf16 v32, v31;
	[tilespmem:s14+$0xFFFFFF70] =	vst v30;
	v30 =	vunpack.i.l.bf16.f32 v24;
	v22 =	vld.idx.msk [tilespmem:v22+s29+$0x0], $0xffff  }
0x1ec: {  	v21 =	vor.u32 v25, v21;
	v25 =	vand.u32 $0x4F, v44;
	v24 =	vunpack.i.u.bf16.f32 v24;
	[tilespmem:s14+$0xFFFFFF80] =	vst v30  }
0x1ed: {  	v19 =	vadd.s32 v19, v26;
	v28 =	vmul.bf16 v28, v31;
	[tilespmem:s14+$0xFFFFFF90] =	vst v24;
	v24 =	vunpack.i.l.bf16.f32 v32;
	v27 =	vld.idx.msk [tilespmem:v27+s29+$0x0], $0xffff  }
0x1ee: {  	v20 =	vor.u32 v4, v20;
	v26 =	vunpack.i.u.bf16.f32 v32;
	[tilespmem:s14+$0xFFFFFFA0] =	vst v24;
	v24 =	vor.u32 v25, v19  }
0x1ef: {  	v25 =	vunpack.i.l.bf16.f32 v28;
	v23 =	vmul.bf16 v23, v31;
	[tilespmem:s14+$0xFFFFFFB0] =	vst v26;
	v26 =	vld.idx.msk [tilespmem:v29+s29+$0x0], $0xffff;
	v29 =	vand.u32 $0x5F, v34  }
0x1f0: {  	v28 =	vunpack.i.u.bf16.f32 v28;
	[tilespmem:s14+$0xFFFFFFC0] =	vst v25;
	v25 =	vor.u32 v29, v19;
	v29 =	vor.u32 v1, v12  }
0x1f1: {  	v30 =	vand.u32 $0x6F, v33;
	v22 =	vmul.bf16 v22, v10;
	[tilespmem:s14+$0xFFFFFFD0] =	vst v28;
	v28 =	vunpack.i.l.bf16.f32 v23;
	v21 =	vld.idx.msk [tilespmem:v21+s29+$0x0], $0xffff  }
0x1f2: {  	v23 =	vunpack.i.u.bf16.f32 v23;
	[tilespmem:s14+$0xFFFFFFE0] =	vst v28;
	v9 =	vld.idx.msk [tilespmem:v9+s22+$0x0], $0xffff;
	v28 =	vor.u32 v30, v19;
	v30 =	vand.u32 $0xFFFFFF80, v12  }
0x1f3: {  	v20 =	vand.u32 $0x7F, v20;
	v27 =	vmul.bf16 v27, v10;
	[tilespmem:s14+$0xFFFFFFF0] =	vst v23;
	v23 =	vunpack.i.l.bf16.f32 v22;
	v24 =	vld.idx.msk [tilespmem:v24+s29+$0x0], $0xffff  }
0x1f4: {  	v19 =	vor.u32 v20, v19;
	v20 =	vand.u32 $0x4F, v29;
	v22 =	vunpack.i.u.bf16.f32 v22;
	[tilespmem:s14+$0x0] =	vst v23  }
0x1f5: {  	v13 =	vadd.s32 v13, v30;
	v23 =	vmul.bf16 v26, v10;
	[tilespmem:s14+$0x10] =	vst v22;
	v22 =	vunpack.i.l.bf16.f32 v27;
	v25 =	vld.idx.msk [tilespmem:v25+s29+$0x0], $0xffff  }
0x1f6: {  	v26 =	vunpack.i.u.bf16.f32 v27;
	v20 =	vor.u32 v20, v13;
	[tilespmem:s14+$0x20] =	vst v22;
	v22 =	vor.u32 v2, v12  }
0x1f7: {  	v10 =	vmul.bf16 v21, v10;
	[tilespmem:s14+$0x30] =	vst v26;
	v26 =	vunpack.i.l.bf16.f32 v23;
	v21 =	vld.idx.msk [tilespmem:v28+s29+$0x0], $0xffff;
	v22 =	vand.u32 $0x5F, v22  }
0x1f8: {  	v23 =	vunpack.i.u.bf16.f32 v23;
	v7 =	vld.idx.msk [tilespmem:v7+s22+$0x0], $0xffff;
	[tilespmem:s14+$0x40] =	vst v26;
	v22 =	vor.u32 v22, v13;
	v26 =	vor.u32 v3, v12  }
0x1f9: {  	v24 =	vmul.bf16 v24, v9;
	[tilespmem:s14+$0x50] =	vst v23;
	v23 =	vunpack.i.l.bf16.f32 v10;
	v19 =	vld.idx.msk [tilespmem:v19+s29+$0x0], $0xffff;
	v26 =	vand.u32 $0x6F, v26  }
0x1fa: {  	v12 =	vor.u32 v4, v12;
	v10 =	vunpack.i.u.bf16.f32 v10;
	[tilespmem:s14+$0x60] =	vst v23;
	v8 =	vld.idx.msk [tilespmem:v8+s22+$0x0], $0xffff;
	v23 =	vor.u32 v26, v13  }
0x1fb: {  	v12 =	vand.u32 $0x7F, v12;
	v25 =	vmul.bf16 v25, v9;
	[tilespmem:s14+$0x70] =	vst v10;
	v10 =	vunpack.i.l.bf16.f32 v24;
	v20 =	vld.idx.msk [tilespmem:v20+s29+$0x0], $0xffff  }
0x1fc: {  	v24 =	vunpack.i.u.bf16.f32 v24;
	[tilespmem:s14+$0x80] =	vst v10;
	v10 =	vor.u32 v12, v13  }
0x1fd: {  	s15 =	sadd.s32 $0x1, s5;
	v13 =	vor.u32 $0x180, v5;
	v12 =	vunpack.i.l.bf16.f32 v25;
	v21 =	vmul.bf16 v21, v9;
	[tilespmem:s14+$0x90] =	vst v24;
	v22 =	vld.idx.msk [tilespmem:v22+s29+$0x0], $0xffff  }
0x1fe: {  	v28 =	vmov s15;
	s15 =	sadd.s32 $0x2, s5;
	v5 =	vshll.u32 v5, $0x7;
	v24 =	vunpack.i.u.bf16.f32 v25;
	[tilespmem:s14+$0xA0] =	vst v12  }
0x1ff: {  	v32 =	vmov s15;
	s15 =	sadd.s32 $0x3, s5;
	v9 =	vmul.bf16 v19, v9;
	[tilespmem:s14+$0xB0] =	vst v24;
	v24 =	vunpack.i.l.bf16.f32 v21;
	v19 =	vld.idx.msk [tilespmem:v23+s29+$0x0], $0xffff  }
0x200: {  	v12 =	vmov s15;
	v23 =	vor.u32 $0x100, v28;
	v21 =	vunpack.i.u.bf16.f32 v21;
	[tilespmem:s14+$0xC0] =	vst v24  }
0x201: {  	v7 =	vshll.u32 v7, $0x6;
	v20 =	vmul.bf16 v20, v8;
	[tilespmem:s14+$0xD0] =	vst v21;
	v21 =	vunpack.i.l.bf16.f32 v9;
	v10 =	vld.idx.msk [tilespmem:v10+s29+$0x0], $0xffff  }
0x202: {  	v25 =	vand.u32 $0xFFFFFF80, v7;
	v24 =	vor.u32 v1, v7;
	v9 =	vunpack.i.u.bf16.f32 v9;
	[tilespmem:s14+$0xE0] =	vst v21  }
0x203: {  	v21 =	vor.u32 v2, v7;
	v22 =	vmul.bf16 v22, v8;
	[tilespmem:s14+$0xF0] =	vst v9;
	v9 =	vunpack.i.l.bf16.f32 v20  }
0x204: {  	v5 =	vadd.s32 v5, v25;
	v24 =	vand.u32 $0x4F, v24;
	v20 =	vunpack.i.u.bf16.f32 v20;
	[tilespmem:s14+$0x100] =	vst v9  }
0x205: {  	v9 =	vor.u32 v24, v5;
	v19 =	vmul.bf16 v19, v8;
	[tilespmem:s14+$0x110] =	vst v20;
	v20 =	vunpack.i.l.bf16.f32 v22  }
0x206: {  	v21 =	vand.u32 $0x5F, v21;
	v24 =	vor.u32 v3, v7;
	v22 =	vunpack.i.u.bf16.f32 v22;
	[tilespmem:s14+$0x120] =	vst v20  }
0x207: {  	v21 =	vor.u32 v21, v5;
	v20 =	vunpack.i.l.bf16.f32 v19;
	v8 =	vmul.bf16 v10, v8;
	[tilespmem:s14+$0x130] =	vst v22  }
0x208: {  	v10 =	vor.u32 $0x100, v32;
	v19 =	vunpack.i.u.bf16.f32 v19;
	v22 =	vand.u32 $0x6F, v24;
	[tilespmem:s14+$0x140] =	vst v20  }
0x209: {  	v7 =	vor.u32 v4, v7;
	v22 =	vor.u32 v22, v5;
	v20 =	vld.idx.msk [tilespmem:v13+s22+$0x0], $0xffff;
	[tilespmem:s14+$0x150] =	vst v19;
	v13 =	vunpack.i.l.bf16.f32 v8  }
0x20a: {  	s15 =	sadd.s32 $0x4, s5;
	v26 =	vor.u32 $0x100, v12;
	v7 =	vand.u32 $0x7F, v7;
	v8 =	vunpack.i.u.bf16.f32 v8;
	v31 =	vld.idx.msk [tilespmem:v9+s29+$0x0], $0xffff;
	[tilespmem:s14+$0x160] =	vst v13  }
0x20b: {  	v27 =	vor.u32 v7, v5;
	v19 =	vmov s15;
	s15 =	sadd.s32 $0x5, s5;
	v23 =	vld.idx.msk [tilespmem:v23+s22+$0x0], $0xffff;
	[tilespmem:s14+$0x170] =	vst v8  }
0x20c: {  	v25 =	vmov s15;
	s15 =	sadd.s32 $0x6, s5;
	v8 =	vor.u32 $0x100, v19;
	v21 =	vld.idx.msk [tilespmem:v21+s29+$0x0], $0xffff;
	[tilespmem:s14+$0x180] =	vst v18  }
.Ltmp5:
0x20d: {  	v5 =	vmov s5;
	v30 =	vor.u32 $0x100, v25;
	v13 =	vmov s15;
	v24 =	vld.idx.msk [tilespmem:v10+s22+$0x0], $0xffff;
	[tilespmem:s14+$0x190] =	vst v17;
	(pc) =	sbr.rel @p2 .LBB2_11-.Ltmp5, $4  }
0x20e: {  	v7 =	vor.u32 $0x100, v5;
	v29 =	vor.u32 $0x100, v13;
	v18 =	vld.idx.msk [tilespmem:v22+s29+$0x0], $0xffff;
	[tilespmem:s14+$0x1A0] =	vst v11  }
0x20f: {  	v17 =	vor.u32 $0x180, v32;
	v22 =	vor.u32 $0x180, v28;
	v11 =	vor.u32 $0x180, v12;
	v26 =	vld.idx.msk [tilespmem:v26+s22+$0x0], $0xffff;
	[tilespmem:s14+$0x1B0] =	vst v15  }
0x210: {  	v9 =	vor.u32 $0x180, v25;
	v10 =	vor.u32 $0x180, v19;
	v31 =	vmul.bf16 v31, v20;
	v27 =	vld.idx.msk [tilespmem:v27+s29+$0x0], $0xffff;
	[tilespmem:s14+$0x1C0] =	vst v16  }
0x211: {  	s15 =	sadd.s32 $0x7, s5;
	s5 =	sadd.s32 $0x8, s5;
	v15 =	vshll.u32 v32, $0x7;
	v16 =	vshll.u32 v28, $0x7;
	v28 =	vld.idx.msk [tilespmem:v8+s22+$0x0], $0xffff;
	v8 =	vor.u32 $0x180, v13;
	[tilespmem:s14+$0x1D0] =	vst v14  }
0x212: {  	v14 =	vmov s15;
	v33 =	vunpack.i.l.bf16.f32 v31;
	v34 =	vmul.bf16 v21, v20  }
0x213: {  	v35 =	vshll.u32 v12, $0x7;
	v61 =	vunpack.i.u.bf16.f32 v31;
	v21 =	vshll.u32 v19, $0x7  }
0x214: {  	v19 =	vshll.u32 v25, $0x7;
	v23 =	vshll.u32 v23, $0x6;
	v24 =	vshll.u32 v24, $0x6  }
0x215: {  	v32 =	vor.u32 $0x100, v14;
	v62 =	vmul.bf16 v18, v20;
	v18 =	vshll.u32 v13, $0x7  }
0x216: {  	v37 =	vor.u32 v1, v23;
	v49 =	vand.u32 $0xFFFFFF80, v23;
	v38 =	vor.u32 v2, v23  }
0x217: {  	v39 =	vor.u32 v3, v23;
	v23 =	vor.u32 v4, v23;
	v40 =	vor.u32 v1, v24  }
0x218: {  	v42 =	vshll.u32 v14, $0x7;
	v43 =	vand.u32 $0xFFFFFF80, v24;
	v50 =	vor.u32 v2, v24  }
0x219: {  	v14 =	vor.u32 $0x180, v14;
	v52 =	vor.u32 v3, v24;
	v24 =	vor.u32 v4, v24  }
0x21a: {  	v36 =	vunpack.i.l.bf16.f32 v34;
	v63 =	vunpack.i.u.bf16.f32 v34;
	v26 =	vshll.u32 v26, $0x6  }
0x21b: {  	v37 =	vand.u32 $0x4F, v37;
	v12 =	vadd.s32 v16, v49;
	v38 =	vand.u32 $0x5F, v38  }
0x21c: {  	[tilespmem:s14+$0x1E0] =	vst v6;
	v6 =	vand.u32 $0x6F, v39;
	v50 =	vand.u32 $0x5F, v50;
	v52 =	vand.u32 $0x6F, v52  }
0x21d: {  	v30 =	vld.idx.msk [tilespmem:v30+s22+$0x0], $0xffff;
	v24 =	vand.u32 $0x7F, v24;
	v48 =	vunpack.i.l.bf16.f32 v62;
	v27 =	vmul.bf16 v27, v20  }
0x21e: {  	v60 =	vld.idx.msk [tilespmem:v29+s22+$0x0], $0xffff;
	v31 =	vunpack.i.u.bf16.f32 v62;
	v37 =	vor.u32 v37, v12;
	v38 =	vor.u32 v38, v12  }
0x21f: {  	v53 =	vor.u32 v6, v12;
	v6 =	vand.u32 $0x7F, v23;
	[tilespmem:s14+$0xFFFFFE20] =	vst v36;
	v58 =	vor.u32 v1, v26  }
0x220: {  	[tilespmem:s14+$0xFFFFFE30] =	vst v63;
	v36 =	vor.u32 v2, v26;
	v62 =	vand.u32 $0x4F, v40;
	v63 =	vadd.s32 v15, v43  }
0x221: {  	v28 =	vshll.u32 v28, $0x6;
	v12 =	vor.u32 v6, v12;
	[tilespmem:s14+$0xFFFFFE50] =	vst v31;
	v31 =	vor.u32 v3, v26;
	v32 =	vld.idx.msk [tilespmem:v32+s22+$0x0], $0xffff  }
0x222: {  	v22 =	vld.idx.msk [tilespmem:v22+s22+$0x0], $0xffff;
	v43 =	vor.u32 v50, v63;
	v24 =	vor.u32 v24, v63;
	v25 =	vand.u32 $0x4F, v58  }
0x223: {  	v20 =	vshll.u32 v30, $0x6;
	v30 =	vunpack.i.l.bf16.f32 v27;
	v13 =	vshll.u32 v60, $0x6;
	v59 =	vld.idx.msk [tilespmem:v37+s29+$0x0], $0xffff  }
0x224: {  	[tilespmem:s14+$0xFFFFFE10] =	vst v61;
	v27 =	vunpack.i.u.bf16.f32 v27;
	v60 =	vand.u32 $0xFFFFFF80, v26;
	v26 =	vor.u32 v4, v26  }
0x225: {  	v40 =	vor.u32 v1, v28;
	v31 =	vand.u32 $0x6F, v31;
	[tilespmem:s14+$0xFFFFFE70] =	vst v27;
	v27 =	vor.u32 v52, v63;
	v61 =	vld.idx.msk [tilespmem:v38+s29+$0x0], $0xffff  }
0x226: {  	v34 =	vadd.s32 v35, v60;
	v38 =	vor.u32 v62, v63;
	v32 =	vshll.u32 v32, $0x6  }
0x227: {  	[tilespmem:s14+$0xFFFFFE00] =	vst v33;
	v33 =	vld.idx.msk [tilespmem:v53+s29+$0x0], $0xffff;
	v41 =	vand.u32 $0xFFFFFF80, v32;
	v44 =	vor.u32 v4, v32;
	v54 =	vor.u32 v1, v32  }
0x228: {  	v56 =	vor.u32 v2, v32;
	v57 =	vor.u32 v3, v32;
	v32 =	vmul.bf16 v59, v22  }
0x229: {  	[tilespmem:s14+$0xFFFFFE40] =	vst v48;
	v49 =	vand.u32 $0xFFFFFF80, v28;
	v26 =	vand.u32 $0x7F, v26;
	v31 =	vor.u32 v31, v34;
	v48 =	vld.idx.msk [tilespmem:v12+s29+$0x0], $0xffff  }
0x22a: {  	s5 =	sadd.s32 $0x400, s14;
	v17 =	vld.idx.msk [tilespmem:v17+s22+$0x0], $0xffff;
	[tilespmem:s14+$0xFFFFFE60] =	vst v30;
	v55 =	vand.u32 $0x4F, v54;
	v37 =	vmul.bf16 v61, v22;
	v54 =	vunpack.i.l.bf16.f32 v32  }
0x22b: {  	v27 =	vld.idx.msk [tilespmem:v27+s29+$0x0], $0xffff;
	v41 =	vadd.s32 v42, v41;
	v23 =	vand.u32 $0x5F, v56;
	v32 =	vunpack.i.u.bf16.f32 v32;
	[tilespmem:s5+$0xFFFFFE80] =	vst v54  }
0x22c: {  	v6 =	vld.idx.msk [tilespmem:v14+s22+$0x0], $0xffff;
	v56 =	vmul.bf16 v33, v22;
	v14 =	vor.u32 v55, v41;
	v55 =	vunpack.i.l.bf16.f32 v37;
	[tilespmem:s5+$0xFFFFFE90] =	vst v32  }
0x22d: {  	v21 =	vadd.s32 v21, v49;
	v44 =	vand.u32 $0x7F, v44;
	v38 =	vld.idx.msk [tilespmem:v38+s29+$0x0], $0xffff;
	v58 =	vunpack.i.u.bf16.f32 v37;
	[tilespmem:s5+$0xFFFFFEA0] =	vst v55  }
0x22e: {  	v11 =	vld.idx.msk [tilespmem:v11+s22+$0x0], $0xffff;
	v51 =	vor.u32 v44, v41;
	v22 =	vmul.bf16 v48, v22;
	v59 =	vunpack.i.l.bf16.f32 v56;
	[tilespmem:s5+$0xFFFFFEB0] =	vst v58  }
0x22f: {  	v25 =	vor.u32 v25, v34;
	v29 =	vand.u32 $0x6F, v57;
	v57 =	vld.idx.msk [tilespmem:v43+s29+$0x0], $0xffff;
	v32 =	vunpack.i.u.bf16.f32 v56;
	[tilespmem:s5+$0xFFFFFEC0] =	vst v59  }
0x230: {  	v24 =	vld.idx.msk [tilespmem:v24+s29+$0x0], $0xffff;
	v43 =	vor.u32 v26, v34;
	v63 =	vunpack.i.l.bf16.f32 v22;
	v27 =	vmul.bf16 v27, v17;
	[tilespmem:s5+$0xFFFFFED0] =	vst v32  }
0x231: {  	v31 =	vld.idx.msk [tilespmem:v31+s29+$0x0], $0xffff;
	v23 =	vor.u32 v23, v41;
	v44 =	vand.u32 $0x4F, v40;
	v22 =	vunpack.i.u.bf16.f32 v22;
	[tilespmem:s5+$0xFFFFFEE0] =	vst v63  }
0x232: {  	v26 =	vor.u32 v44, v21;
	[tilespmem:s5+$0xFFFFFEF0] =	vst v22;
	v62 =	vmul.bf16 v38, v17;
	v48 =	vunpack.i.l.bf16.f32 v27  }
0x233: {  	v36 =	vand.u32 $0x5F, v36;
	v60 =	vor.u32 v1, v20;
	v27 =	vunpack.i.u.bf16.f32 v27;
	v16 =	vld.idx.msk [tilespmem:v51+s29+$0x0], $0xffff;
	[tilespmem:s5+$0xFFFFFF40] =	vst v48  }
0x234: {  	v10 =	vld.idx.msk [tilespmem:v10+s22+$0x0], $0xffff;
	v29 =	vor.u32 v29, v41;
	v38 =	vmul.bf16 v57, v17;
	[tilespmem:s5+$0xFFFFFF50] =	vst v27;
	v39 =	vunpack.i.l.bf16.f32 v62  }
0x235: {  	v25 =	vld.idx.msk [tilespmem:v25+s29+$0x0], $0xffff;
	v61 =	vor.u32 v36, v34;
	v17 =	vmul.bf16 v24, v17;
	v41 =	vunpack.i.u.bf16.f32 v62;
	[tilespmem:s5+$0xFFFFFF00] =	vst v39  }
0x236: {  	v57 =	vmul.bf16 v31, v11;
	v51 =	vor.u32 v2, v28;
	v15 =	vld.idx.msk [tilespmem:v23+s29+$0x0], $0xffff;
	v45 =	vunpack.i.l.bf16.f32 v38;
	[tilespmem:s5+$0xFFFFFF10] =	vst v41  }
0x237: {  	v23 =	vor.u32 v3, v28;
	v28 =	vor.u32 v4, v28;
	v46 =	vunpack.i.u.bf16.f32 v38;
	v26 =	vld.idx.msk [tilespmem:v26+s29+$0x0], $0xffff;
	[tilespmem:s5+$0xFFFFFF20] =	vst v45  }
0x238: {  	v49 =	vand.u32 $0x5F, v51;
	v51 =	vunpack.i.l.bf16.f32 v17;
	[tilespmem:s5+$0xFFFFFF30] =	vst v46;
	v12 =	vmul.bf16 v16, v6;
	v16 =	vld.idx.msk [tilespmem:v14+s29+$0x0], $0xffff  }
0x239: {  	v23 =	vand.u32 $0x6F, v23;
	v17 =	vunpack.i.u.bf16.f32 v17;
	v24 =	vor.u32 v49, v21;
	[tilespmem:s5+$0xFFFFFF60] =	vst v51;
	v14 =	vld.idx.msk [tilespmem:v29+s29+$0x0], $0xffff  }
0x23a: {  	v28 =	vand.u32 $0x7F, v28;
	v58 =	vunpack.i.l.bf16.f32 v57;
	v23 =	vor.u32 v23, v21;
	[tilespmem:s5+$0xFFFFFF70] =	vst v17;
	v29 =	vld.idx.msk [tilespmem:v61+s29+$0x0], $0xffff  }
0x23b: {  	v25 =	vmul.bf16 v25, v11;
	v22 =	vld.idx.msk [tilespmem:v43+s29+$0x0], $0xffff;
	v54 =	vor.u32 v28, v21;
	v28 =	vunpack.i.u.bf16.f32 v57;
	[tilespmem:s5+$0xFFFFFFC0] =	vst v58  }
0x23c: {  	v47 =	vand.u32 $0xFFFFFF80, v20;
	v50 =	vor.u32 v2, v20;
	[tilespmem:s5+$0xFFFFFFD0] =	vst v28;
	v53 =	vunpack.i.u.bf16.f32 v12  }
0x23d: {  	v52 =	vor.u32 v3, v20;
	v26 =	vmul.bf16 v26, v10;
	[tilespmem:s5+$0x1F0] =	vst v53;
	v53 =	vunpack.i.l.bf16.f32 v25  }
0x23e: {  	v20 =	vor.u32 v4, v20;
	v19 =	vadd.s32 v19, v47;
	v24 =	vld.idx.msk [tilespmem:v24+s29+$0x0], $0xffff;
	v25 =	vunpack.i.u.bf16.f32 v25;
	[tilespmem:s5+$0xFFFFFF80] =	vst v53  }
0x23f: {  	v55 =	vand.u32 $0x4F, v60;
	v23 =	vld.idx.msk [tilespmem:v23+s29+$0x0], $0xffff;
	v63 =	vunpack.i.l.bf16.f32 v26;
	[tilespmem:s5+$0xFFFFFF90] =	vst v25;
	v29 =	vmul.bf16 v29, v11  }
0x240: {  	v59 =	vand.u32 $0x5F, v50;
	v60 =	vor.u32 v1, v13;
	v17 =	vld.idx.msk [tilespmem:v54+s29+$0x0], $0xffff;
	v26 =	vunpack.i.u.bf16.f32 v26;
	[tilespmem:s5+$0x0] =	vst v63  }
0x241: {  	v30 =	vand.u32 $0x4F, v60;
	[tilespmem:s5+$0x10] =	vst v26;
	v11 =	vmul.bf16 v22, v11;
	v56 =	vunpack.i.l.bf16.f32 v29  }
0x242: {  	v32 =	vor.u32 v2, v13;
	v21 =	vor.u32 v55, v19;
	v29 =	vunpack.i.u.bf16.f32 v29;
	[tilespmem:s5+$0xFFFFFFA0] =	vst v56  }
0x243: {  	v27 =	vand.u32 $0x6F, v52;
	v16 =	vmul.bf16 v16, v6;
	v61 =	vunpack.i.l.bf16.f32 v11;
	[tilespmem:s5+$0xFFFFFFB0] =	vst v29  }
0x244: {  	v34 =	vand.u32 $0x5F, v32;
	v27 =	vor.u32 v27, v19;
	v11 =	vunpack.i.u.bf16.f32 v11;
	[tilespmem:s5+$0xFFFFFFE0] =	vst v61  }
0x245: {  	v62 =	vand.u32 $0xFFFFFF80, v13;
	v57 =	vmul.bf16 v15, v6;
	v58 =	vunpack.i.l.bf16.f32 v16;
	[tilespmem:s5+$0xFFFFFFF0] =	vst v11  }
0x246: {  	v9 =	vld.idx.msk [tilespmem:v9+s22+$0x0], $0xffff;
	v22 =	vor.u32 v59, v19;
	v24 =	vmul.bf16 v24, v10;
	v60 =	vunpack.i.u.bf16.f32 v16;
	[tilespmem:s5+$0x180] =	vst v58  }
0x247: {  	v18 =	vadd.s32 v18, v62;
	v21 =	vld.idx.msk [tilespmem:v21+s29+$0x0], $0xffff;
	v23 =	vmul.bf16 v23, v10;
	[tilespmem:s5+$0x190] =	vst v60;
	v61 =	vunpack.i.u.bf16.f32 v57  }
0x248: {  	v10 =	vmul.bf16 v17, v10;
	v17 =	vor.u32 v34, v18;
	v31 =	vunpack.i.l.bf16.f32 v24;
	[tilespmem:s5+$0x1B0] =	vst v61  }
0x249: {  	v20 =	vand.u32 $0x7F, v20;
	v36 =	vor.u32 v3, v13;
	v35 =	vld.idx.msk [tilespmem:v27+s29+$0x0], $0xffff;
	v24 =	vunpack.i.u.bf16.f32 v24;
	[tilespmem:s5+$0x20] =	vst v31  }
0x24a: {  	v7 =	vld.idx.msk [tilespmem:v7+s22+$0x0], $0xffff;
	v13 =	vor.u32 v4, v13;
	v29 =	vor.u32 v20, v19;
	v33 =	vunpack.i.l.bf16.f32 v23;
	[tilespmem:s5+$0x30] =	vst v24  }
0x24b: {  	v13 =	vand.u32 $0x7F, v13;
	v23 =	vunpack.i.u.bf16.f32 v23;
	v22 =	vld.idx.msk [tilespmem:v22+s29+$0x0], $0xffff;
	[tilespmem:s5+$0x40] =	vst v33  }
0x24c: {  	v8 =	vld.idx.msk [tilespmem:v8+s22+$0x0], $0xffff;
	v21 =	vmul.bf16 v21, v9;
	v19 =	vor.u32 v30, v18;
	v37 =	vunpack.i.l.bf16.f32 v10;
	[tilespmem:s5+$0x50] =	vst v23  }
0x24d: {  	v40 =	vor.u32 v13, v18;
	v10 =	vunpack.i.u.bf16.f32 v10;
	[tilespmem:s5+$0x60] =	vst v37;
	v17 =	vld.idx.msk [tilespmem:v17+s29+$0x0], $0xffff  }
0x24e: {  	v42 =	vmul.bf16 v35, v9;
	v39 =	vunpack.i.l.bf16.f32 v21;
	v24 =	vand.u32 $0x6F, v36;
	[tilespmem:s5+$0x70] =	vst v10  }
0x24f: {  	v7 =	vshll.u32 v7, $0x6;
	v21 =	vunpack.i.u.bf16.f32 v21;
	v38 =	vor.u32 v24, v18;
	v11 =	vld.idx.msk [tilespmem:v29+s29+$0x0], $0xffff;
	[tilespmem:s5+$0x80] =	vst v39  }
0x250: {  	v50 =	vand.u32 $0xFFFFFF80, v7;
	v44 =	vunpack.i.l.bf16.f32 v42;
	[tilespmem:s5+$0x90] =	vst v21;
	v22 =	vmul.bf16 v22, v9  }
0x251: {  	v48 =	vor.u32 v1, v7;
	v52 =	vor.u32 v2, v7;
	v18 =	vunpack.i.u.bf16.f32 v42;
	v19 =	vld.idx.msk [tilespmem:v19+s29+$0x0], $0xffff;
	[tilespmem:s5+$0xC0] =	vst v44  }
0x252: {  	v46 =	vor.u32 $0x180, v5;
	[tilespmem:s5+$0xD0] =	vst v18;
	v41 =	vunpack.i.l.bf16.f32 v22;
	v17 =	vmul.bf16 v17, v8  }
0x253: {  	v5 =	vshll.u32 v5, $0x7;
	v55 =	vor.u32 v3, v7;
	v10 =	vld.idx.msk [tilespmem:v40+s29+$0x0], $0xffff;
	v43 =	vunpack.i.u.bf16.f32 v22;
	[tilespmem:s5+$0xA0] =	vst v41  }
0x254: {  	v7 =	vor.u32 v4, v7;
	v45 =	vld.idx.msk [tilespmem:v38+s29+$0x0], $0xffff;
	[tilespmem:s5+$0xB0] =	vst v43;
	v9 =	vmul.bf16 v11, v9;
	v51 =	vunpack.i.l.bf16.f32 v17  }
0x255: {  	v5 =	vadd.s32 v5, v50;
	v18 =	vand.u32 $0x4F, v48;
	v17 =	vunpack.i.u.bf16.f32 v17;
	[tilespmem:s5+$0x120] =	vst v51  }
0x256: {  	v18 =	vor.u32 v18, v5;
	v19 =	vmul.bf16 v19, v8;
	v47 =	vunpack.i.l.bf16.f32 v9;
	[tilespmem:s5+$0x130] =	vst v17  }
0x257: {  	v7 =	vand.u32 $0x7F, v7;
	v53 =	vand.u32 $0x5F, v52;
	v9 =	vunpack.i.u.bf16.f32 v9;
	[tilespmem:s5+$0xE0] =	vst v47  }
0x258: {  	v49 =	vunpack.i.l.bf16.f32 v19;
	v19 =	vunpack.i.u.bf16.f32 v19;
	[tilespmem:s5+$0xF0] =	vst v9;
	v9 =	vor.u32 v53, v5  }
0x259: {  	[tilespmem:s5+$0x100] =	vst v49;
	v11 =	vmul.bf16 v45, v8;
	v8 =	vmul.bf16 v10, v8;
	v10 =	vand.u32 $0x6F, v55  }
0x25a: {  	v13 =	vld.idx.msk [tilespmem:v46+s22+$0x0], $0xffff;
	[tilespmem:s5+$0x110] =	vst v19;
	v10 =	vor.u32 v10, v5;
	v5 =	vor.u32 v7, v5;
	v7 =	vunpack.i.l.bf16.f32 v57  }
0x25b: {  	v59 =	vld.idx.msk [tilespmem:v18+s29+$0x0], $0xffff;
	v54 =	vunpack.i.l.bf16.f32 v11;
	[tilespmem:s5+$0x1A0] =	vst v7  }
0x25c: {  	v11 =	vunpack.i.u.bf16.f32 v11;
	[tilespmem:s5+$0x140] =	vst v54  }
0x25d: {  	v6 =	vmul.bf16 v14, v6;
	v56 =	vunpack.i.l.bf16.f32 v8;
	[tilespmem:s5+$0x150] =	vst v11;
	v9 =	vld.idx.msk [tilespmem:v9+s29+$0x0], $0xffff  }
0x25e: {  	v8 =	vunpack.i.u.bf16.f32 v8;
	[tilespmem:s5+$0x160] =	vst v56  }
0x25f: {  	v7 =	vunpack.i.l.bf16.f32 v6;
	[tilespmem:s5+$0x170] =	vst v8;
	v10 =	vld.idx.msk [tilespmem:v10+s29+$0x0], $0xffff  }
0x260: {  	v6 =	vunpack.i.u.bf16.f32 v6;
	v62 =	vmul.bf16 v59, v13;
	[tilespmem:s5+$0x1C0] =	vst v7  }
0x261: {  	v7 =	vunpack.i.l.bf16.f32 v12;
	[tilespmem:s5+$0x1D0] =	vst v6;
	v5 =	vld.idx.msk [tilespmem:v5+s29+$0x0], $0xffff  }
0x262: {  	[tilespmem:s5+$0x1E0] =	vst v7;
	v6 =	vunpack.i.l.bf16.f32 v62;
	v9 =	vmul.bf16 v9, v13  }
0x263: {  	v7 =	vunpack.i.u.bf16.f32 v62;
	[tilespmem:s5+$0xFFFFFE00] =	vst v6  }
0x264: {  	[tilespmem:s5+$0xFFFFFE10] =	vst v7;
	v7 =	vmul.bf16 v10, v13;
	v6 =	vunpack.i.l.bf16.f32 v9  }
0x265: {  	v63 =	vunpack.i.u.bf16.f32 v9;
	[tilespmem:s5+$0xFFFFFE20] =	vst v6  }
0x266: {  	v5 =	vmul.bf16 v5, v13;
	[tilespmem:s5+$0xFFFFFE30] =	vst v63;
	v6 =	vunpack.i.l.bf16.f32 v7  }
0x267: {  	v7 =	vunpack.i.u.bf16.f32 v7;
	[tilespmem:s5+$0xFFFFFE40] =	vst v6  }
0x268: {  	[tilespmem:s5+$0xFFFFFE50] =	vst v7;
	v6 =	vunpack.i.l.bf16.f32 v5  }
0x269: {  	v5 =	vunpack.i.u.bf16.f32 v5;
	[tilespmem:s5+$0xFFFFFE60] =	vst v6  }
0x26a: {  	[tilespmem:s5+$0xFFFFFE70] =	vst v5;
	s5 =	sadd.s32 @!p1 s9, s12  }
0x26b: {  	[spmem:s2] =	stream.indirect.scatter.add.f32 [tilespmem:s29], [sflag:$0x4], $0x80, s22, s24, $0xb8;
	[tilespmem:$0x1BCC0] =	vst v63  }
0x26c: {  	p2 =	sne.s32 @!p1 s10, $0x50;
	s5 =	sshrl.u32 @!p1 s5, $0x3  }
0x26d: {  	s14 =	simm.s32 @!p1 $0x200;
	s9 =	simm.s32 @!p1 $0x0;
	s5 =	sadd.s32 @!p1 s4, s5  }
0x26e: {  	[tilespmem:s14], [sflag:$0x6] =	stream.linear.gather @!p1 [hbm4b:s5+s9], $0x200, $0x38;
	[tilespmem:$0x1BCC0] =	vst v63  }
0x26f: {  	p1 =	por p1, !p2  }
.Ltmp6:
0x270: {  	_ = 	snop;
	(pc) =	sbr.rel @!p1 .LBB2_8-.Ltmp6, $1  }
0x271: {  	_ =	sdelay $0x3  }
0x272: {  	_ =	swait.ge [sflag:s30], $0x4000  }
0x273: {  	p1 =	sne.s32 s13, $0x1;
	[sflag:s30] =	ssyncset.done $0x0  }
.Ltmp7:
0x274: {  	[sflag:s30] =	ssyncadd.s32 $0xFFFFC000;
	(pc) =	sbr.rel @!p1 .LBB2_15-.Ltmp7, $4  }
0x275: {  	s0 =	sshrl.u32 s18, $0x3;
	[bflag:$0x0] =	sbarrier.arrive $0xFFFF  }
0x276: {  	[hbm:s17], [sflag:s19] =	dma.local [spmem:s0], $0x280  }
0x277: {  	s5 =	sadd.s32 $0x14000, s18;
	_ =	swait.ge [sflag:s20], $0x280  }
0x278: {  	s9 =	smov.u32 s17;
	s0 =	sadd.s32 $0xFFFFFFFF, s13;
	[sflag:s20] =	ssyncset.done $0x0  }
.LBB2_14:
0x279: {  	s10 =	sshrl.u32 s5, $0x3  }
0x27a: {  	[sflag:s20] =	ssyncadd.s32 $0xFFFFFD80;
	s9 =	sadd.s32 $0x2800, s9;
	p1 =	sne.s32 s0, $0x1  }
0x27b: {  	[hbm:s9], [sflag:s19] =	dma.local [spmem:s10], $0x280  }
.Ltmp8:
0x27c: {  	_ = 	snop;
	(pc) =	sbr.rel @p1 .LBB2_14-.Ltmp8, $4  }
0x27d: {  	_ = 	snop  }
0x27e: {  	s0 =	sadd.s32 $0xFFFFFFFF, s0  }
0x27f: {  	_ =	swait.ge [sflag:s20], $0x280  }
0x280: {  	s5 =	sadd.s32 $0x14000, s5;
	[sflag:s20] =	ssyncset.done $0x0  }
.LBB2_15:
0x281: {  	s31 =	sadd.s32 $0x1, s31;
	s0 =	rddreg [dreg:$0x8]  }
0x282: {  	p1 =	sne.s32 s31, s0  }
.Ltmp9:
0x283: {  	_ = 	snop;
	(pc) =	sbr.rel @p1 .LBB2_1-.Ltmp9, $2  }
0x284: {  	_ =	sdelay $0x2  }
0x285: {  	[sflag:s20] =	ssyncadd.s32 $0xFFFFFD80  }
0x286: {  	_ =	sfence.sel $0x180000  }
0x287: {  	[bflag:$0x0] =	sbarrier.arrive $0xFFFF  }
0x288: {  	_ =	strace $0x90000047  }
0x289: {  	[bflag:$0x2] =	sbarrier.arrive $0xFFFF  }
0x28a: {  	s0 =	rddreg [dreg:$0x4]  }
0x28b: {  	s0 =	sadd.s32 @!p0 $0x100000, s0  }
0x28c: {  	[sflag:s0] =	ssyncadd.tile.s32 @!p0 $0x1;
	_ =	shalt  }
.Lfunc_end2:
_tile_overlayer_lowered:
.L_overlay_start_2:
0x28d: {  	(tag) =	ssettag $0x2  }
0x28e: {  	s0 =	rddreg [dreg:$0x0];
	s2 =	stileid.u32  }
0x28f: {  	s1 =	rddreg [dreg:$0x1];
	p0 =	sne.s32 s2, $0x0  }
0x290: {  	s3 =	rddreg [dreg:$0x2];
	[bflag:$0x3] =	sbarrier.arrive $0xFFFF;
	s2 =	simm.s32 @!p0 $0x1C07  }
0x291: {  	[timem:s3], [sflag:s2] =	dma.local @!p0 [hbm:s0], s1  }
0x292: {  	s0 =	simm.s32 @!p0 $0x7  }
0x293: {  	_ =	swait.ge @!p0 [sflag:s0], s1  }
0x294: {  	s1 =	ssub.s32 @!p0 $0x0, s1;
	[sflag:s0] =	ssyncset.done @!p0 $0x0  }
0x295: {  	[sflag:s0] =	ssyncadd.s32 @!p0 s1  }
0x296: {  	[bflag:$0x3] =	sbarrier.arrive $0xFFFF  }
0x297: {  	_ =	shalt  }

</sc_bundles>
